<compile_context>
chip_gen: v7x
topology: tpu7x:2x2x1
jax: 0.10.2.dev20260603
libtpu: 0.0.44.dev20260713+nightly
codegen_flags: <defaults>
</compile_context>

<pallas_src>
import jax
import jax.numpy as jnp
from jax import lax
from jax.experimental import pallas as pl
from jax.experimental.pallas import tpu as pltpu
from jax.experimental.pallas import tpu_sc as plsc

D_MODEL = 64
NUM_CORES = 2
NUM_SUBCORES = 16
NUM_WORKERS = NUM_CORES * NUM_SUBCORES
LANES = 16
NBUF = 2
CHUNK = 256


def _sc_body(x_hbm, ts_hbm, tab_hbm, out_hbm, ts_v, emb0, emb1,
             x0, x1, r0, r1, tsem0, tsem1, gsem0, gsem1,
             xsem0, xsem1, osem0, osem1):
    embs = (emb0, emb1)
    xs = (x0, x1)
    rs = (r0, r1)
    tsem = (tsem0, tsem1)
    gsem = (gsem0, gsem1)
    xsem = (xsem0, xsem1)
    osem = (osem0, osem1)
    n_tok = ts_hbm.shape[0]
    tpw = n_tok // NUM_WORKERS
    nchunk = tpw // CHUNK
    wid = lax.axis_index("s") * NUM_CORES + lax.axis_index("c")
    tok0 = wid * tpw

    def issue_ts(s, b):
        off = tok0 + s * CHUNK
        pltpu.async_copy(ts_hbm.at[pl.ds(off, CHUNK)], ts_v.at[b], tsem[b])
        pltpu.async_copy(x_hbm.at[pl.ds(off, CHUNK)], xs[b], xsem[b])

    def issue_gather(b):
        pltpu.make_async_copy(
            ts_hbm.at[pl.ds(0, CHUNK)], ts_v.at[b], tsem[b]).wait()
        pltpu.async_copy(
            tab_hbm.at[plsc.Indices(ts_v.at[b])], embs[b], gsem[b])

    for b in range(NBUF):
        issue_ts(b, b)
    issue_gather(0)

    @pl.loop(0, nchunk, step=NBUF)
    def _(s0):
        for b in range(NBUF):
            s = s0 + b
            @pl.when(s + 1 < nchunk)
            def _():
                issue_gather(1 - b)

            pltpu.make_async_copy(
                tab_hbm.at[pl.ds(0, CHUNK)], embs[b], gsem[b]).wait()
            pltpu.make_async_copy(
                x_hbm.at[pl.ds(0, CHUNK)], xs[b], xsem[b]).wait()

            @pl.when(s >= NBUF)
            def _():
                pltpu.make_async_copy(
                    rs[b], out_hbm.at[pl.ds(0, CHUNK)], osem[b]).wait()

            @plsc.parallel_loop(0, CHUNK, unroll=8)
            def _(i):
                for j in range(0, D_MODEL, LANES):
                    sl = pl.ds(j, LANES)
                    rs[b][i, sl] = xs[b][i, sl] + embs[b][i, sl]

            pltpu.async_copy(
                rs[b], out_hbm.at[pl.ds(tok0 + s * CHUNK, CHUNK)], osem[b])

            @pl.when(s + NBUF < nchunk)
            def _():
                issue_ts(s + NBUF, b)

    for b in range(NBUF):
        pltpu.make_async_copy(
            rs[b], out_hbm.at[pl.ds(0, CHUNK)], osem[b]).wait()


def _sc_call(x_flat, ts_flat, tab):
    n_tok = ts_flat.shape[0]
    mesh = plsc.VectorSubcoreMesh(core_axis_name="c", subcore_axis_name="s")
    f = pl.kernel(
        _sc_body,
        mesh=mesh,
        compiler_params=pltpu.CompilerParams(
            use_tc_tiling_on_sc=False, needs_layout_passes=False),
        out_type=jax.ShapeDtypeStruct((n_tok, D_MODEL), jnp.float32),
        scratch_types=[
            pltpu.VMEM((NBUF, CHUNK), jnp.int32),
            pltpu.VMEM((CHUNK, D_MODEL), jnp.float32),
            pltpu.VMEM((CHUNK, D_MODEL), jnp.float32),
            pltpu.VMEM((CHUNK, D_MODEL), jnp.float32),
            pltpu.VMEM((CHUNK, D_MODEL), jnp.float32),
            pltpu.VMEM((CHUNK, D_MODEL), jnp.float32),
            pltpu.VMEM((CHUNK, D_MODEL), jnp.float32),
            pltpu.SemaphoreType.DMA,
            pltpu.SemaphoreType.DMA,
            pltpu.SemaphoreType.DMA,
            pltpu.SemaphoreType.DMA,
            pltpu.SemaphoreType.DMA,
            pltpu.SemaphoreType.DMA,
            pltpu.SemaphoreType.DMA,
            pltpu.SemaphoreType.DMA,
        ],
    )
    return f(x_flat, ts_flat, tab)


TC_T = 512
TAB_PAD = 1024


def _tc_body(ts_ref, x_ref, tab_ref, o_ref):
    ts = ts_ref[...]
    onehot = (ts[:, None]
              == lax.broadcasted_iota(jnp.int32, (TC_T, TAB_PAD), 1)
              ).astype(jnp.float32)
    o_ref[...] = x_ref[...] + jnp.dot(
        onehot, tab_ref[...], preferred_element_type=jnp.float32)


def _tc_call(x2, ts2, tabp):
    n = x2.shape[0]
    nblk = n // TC_T
    return pl.pallas_call(
        _tc_body,
        grid=(nblk,),
        in_specs=[
            pl.BlockSpec((TC_T,), lambda i: (i,)),
            pl.BlockSpec((TC_T, D_MODEL), lambda i: (i, 0)),
            pl.BlockSpec((TAB_PAD, D_MODEL), lambda i: (0, 0)),
        ],
        out_specs=pl.BlockSpec((TC_T, D_MODEL), lambda i: (i, 0)),
        out_shape=jax.ShapeDtypeStruct((n, D_MODEL), jnp.float32),
    )(ts2, x2, tabp)


N_SC = 409600


@jax.jit
def _run(x2, ts2, tab):
    out_sc = _sc_call(x2[:N_SC], ts2[:N_SC], tab)
    tabp = jnp.zeros((TAB_PAD, D_MODEL), jnp.float32).at[:tab.shape[0]].set(tab)
    out_tc = _tc_call(x2[N_SC:], ts2[N_SC:], tabp)
    return jnp.concatenate([out_sc, out_tc], axis=0)


def kernel(x, timestamps, time_embedding):
    b, s, d = x.shape
    out = _run(
        x.reshape(-1, d),
        timestamps.reshape(-1).astype(jnp.int32),
        time_embedding,
    )
    return out.reshape(b, s, d)

# --- scband reference (transcript-rebuilt; emitter-appended) ---
"""Pipeline reference for scband-temporal-encoding-89764816487073 (READ-ONLY COPY).

The authoritative reference and input builder live on the scoring server;
editing this copy changes nothing except your own understanding.
"""

import jax, jax.numpy as jnp
import numpy as np

D_MODEL = 64
MAX_LEN = 1000
BATCH = 4096
SEQ = 200

def setup_inputs(seed: int = 0) -> dict:
    key = jax.random.key(seed)
    k_x, k_ts, k_emb = jax.random.split(key, 3)
    x = jax.random.normal(k_x, (BATCH, SEQ, D_MODEL), dtype=jnp.float32)
    timestamps = jax.random.randint(k_ts, (BATCH, SEQ), 0, MAX_LEN, dtype=jnp.int64)
    time_embedding = jax.random.normal(k_emb, (MAX_LEN, D_MODEL), dtype=jnp.float32) * 0.02
    return {"x": x, "timestamps": timestamps, "time_embedding": time_embedding}

def reference(x, timestamps, time_embedding):
    # time_emb = self.time_embedding(timestamps.long())
    time_emb = jnp.take(time_embedding, timestamps.astype(jnp.int32), axis=0)
    out = x + time_emb
    # dropout is identity at inference time
    return out

if __name__ == "__main__":
    import jax
    _d = setup_inputs()
    print(jax.jit(kernel)(*tuple(_d.values())))

</pallas_src>

<mosaic_0001>
#map = affine_map<(d0, d1) -> (0, 0)>
#map1 = affine_map<(d0, d1) -> (0)>
module attributes {stable_mosaic.version = 14 : i64} {
  func.func @_sc_body(%arg0: i32, %arg1: i32, %arg2: memref<409600x64xf32, #tpu.memory_space<hbm>>, %arg3: memref<409600xi32, #tpu.memory_space<hbm>>, %arg4: memref<1000x64xf32, #tpu.memory_space<hbm>>, %arg5: memref<409600x64xf32, #tpu.memory_space<hbm>>, %arg6: memref<2x256xi32, #tpu.memory_space<vmem>>, %arg7: memref<256x64xf32, #tpu.memory_space<vmem>>, %arg8: memref<256x64xf32, #tpu.memory_space<vmem>>, %arg9: memref<256x64xf32, #tpu.memory_space<vmem>>, %arg10: memref<256x64xf32, #tpu.memory_space<vmem>>, %arg11: memref<256x64xf32, #tpu.memory_space<vmem>>, %arg12: memref<256x64xf32, #tpu.memory_space<vmem>>, %arg13: memref<!tpu.dma_semaphore, #tpu.memory_space<semaphore_mem>>, %arg14: memref<!tpu.dma_semaphore, #tpu.memory_space<semaphore_mem>>, %arg15: memref<!tpu.dma_semaphore, #tpu.memory_space<semaphore_mem>>, %arg16: memref<!tpu.dma_semaphore, #tpu.memory_space<semaphore_mem>>, %arg17: memref<!tpu.dma_semaphore, #tpu.memory_space<semaphore_mem>>, %arg18: memref<!tpu.dma_semaphore, #tpu.memory_space<semaphore_mem>>, %arg19: memref<!tpu.dma_semaphore, #tpu.memory_space<semaphore_mem>>, %arg20: memref<!tpu.dma_semaphore, #tpu.memory_space<semaphore_mem>>) attributes {dimension_semantics = [#tpu.dimension_semantics<core_parallel>, #tpu.dimension_semantics<subcore_parallel>], iteration_bounds = array<i64: 2, 16>, scalar_prefetch = 0 : i64, scratch_operands = 15 : i64, tpu.core_type = #tpu.core_type<sc_vector_subcore>, window_params = [{transform_indices = #map}, {transform_indices = #map1}, {transform_indices = #map}, {transform_indices = #map}]} {
    %mul3A = arith.constant 2 : i32
    %mul3A_0 = arith.muli %arg1, %mul3A : i32
    %add3A = arith.addi %mul3A_0, %arg0 : i32
    %mul3A_1 = arith.constant 12800 : i32
    %mul3A_2 = arith.muli %add3A, %mul3A_1 : i32
    %add3A_3 = arith.constant 0 : i32
    %add3A_4 = arith.addi %mul3A_2, %add3A_3 : i32
    %dma_start3A = arith.constant 0 : i32
    %dma_start3A_5 = arith.constant 0 : i32
    %dma_start3A_6 = tpu.memref_slice %arg6[%dma_start3A, %dma_start3A_5] : memref<2x256xi32, #tpu.memory_space<vmem>> -> memref<1x256xi32, #tpu.memory_space<vmem>>
    %dma_start3A_7 = tpu.memref_squeeze %dma_start3A_6 : memref<1x256xi32, #tpu.memory_space<vmem>> -> memref<256xi32, #tpu.memory_space<vmem>>
    %dma_start3A_8 = tpu.memref_slice %arg3[%add3A_4] : memref<409600xi32, #tpu.memory_space<hbm>> -> memref<256xi32, #tpu.memory_space<hbm>>
    %dma_start3A_9 = arith.constant 0 : i32
    %dma_start3A_10 = tpu.memref_slice %arg6[%dma_start3A, %dma_start3A_9] : memref<2x256xi32, #tpu.memory_space<vmem>> -> memref<1x256xi32, #tpu.memory_space<vmem>>
    %dma_start3A_11 = tpu.memref_squeeze %dma_start3A_10 : memref<1x256xi32, #tpu.memory_space<vmem>> -> memref<256xi32, #tpu.memory_space<vmem>>
    %dma_start3A_12 = tpu.memref_slice %arg3[%add3A_4] : memref<409600xi32, #tpu.memory_space<hbm>> -> memref<256xi32, #tpu.memory_space<hbm>>
    tpu.enqueue_dma source(%dma_start3A_12 : memref<256xi32, #tpu.memory_space<hbm>>) target(%dma_start3A_11 : memref<256xi32, #tpu.memory_space<vmem>>) target_semaphore(%arg13 : memref<!tpu.dma_semaphore, #tpu.memory_space<semaphore_mem>>)
    %dma_start3A_13 = arith.constant 0 : i32
    %dma_start3A_14 = tpu.memref_slice %arg2[%add3A_4, %dma_start3A_13] : memref<409600x64xf32, #tpu.memory_space<hbm>> -> memref<256x64xf32, #tpu.memory_space<hbm>>
    %dma_start3A_15 = arith.constant 0 : i32
    %dma_start3A_16 = tpu.memref_slice %arg2[%add3A_4, %dma_start3A_15] : memref<409600x64xf32, #tpu.memory_space<hbm>> -> memref<256x64xf32, #tpu.memory_space<hbm>>
    tpu.enqueue_dma source(%dma_start3A_16 : memref<256x64xf32, #tpu.memory_space<hbm>>) target(%arg9 : memref<256x64xf32, #tpu.memory_space<vmem>>) target_semaphore(%arg17 : memref<!tpu.dma_semaphore, #tpu.memory_space<semaphore_mem>>)
    %add3A_17 = arith.constant 256 : i32
    %add3A_18 = arith.addi %mul3A_2, %add3A_17 : i32
    %dma_start3A_19 = arith.constant 1 : i32
    %dma_start3A_20 = arith.constant 0 : i32
    %dma_start3A_21 = tpu.memref_slice %arg6[%dma_start3A_19, %dma_start3A_20] : memref<2x256xi32, #tpu.memory_space<vmem>> -> memref<1x256xi32, #tpu.memory_space<vmem>>
    %dma_start3A_22 = tpu.memref_squeeze %dma_start3A_21 : memref<1x256xi32, #tpu.memory_space<vmem>> -> memref<256xi32, #tpu.memory_space<vmem>>
    %dma_start3A_23 = tpu.memref_slice %arg3[%add3A_18] : memref<409600xi32, #tpu.memory_space<hbm>> -> memref<256xi32, #tpu.memory_space<hbm>>
    %dma_start3A_24 = arith.constant 0 : i32
    %dma_start3A_25 = tpu.memref_slice %arg6[%dma_start3A_19, %dma_start3A_24] : memref<2x256xi32, #tpu.memory_space<vmem>> -> memref<1x256xi32, #tpu.memory_space<vmem>>
    %dma_start3A_26 = tpu.memref_squeeze %dma_start3A_25 : memref<1x256xi32, #tpu.memory_space<vmem>> -> memref<256xi32, #tpu.memory_space<vmem>>
    %dma_start3A_27 = tpu.memref_slice %arg3[%add3A_18] : memref<409600xi32, #tpu.memory_space<hbm>> -> memref<256xi32, #tpu.memory_space<hbm>>
    tpu.enqueue_dma source(%dma_start3A_27 : memref<256xi32, #tpu.memory_space<hbm>>) target(%dma_start3A_26 : memref<256xi32, #tpu.memory_space<vmem>>) target_semaphore(%arg14 : memref<!tpu.dma_semaphore, #tpu.memory_space<semaphore_mem>>)
    %dma_start3A_28 = arith.constant 0 : i32
    %dma_start3A_29 = tpu.memref_slice %arg2[%add3A_18, %dma_start3A_28] : memref<409600x64xf32, #tpu.memory_space<hbm>> -> memref<256x64xf32, #tpu.memory_space<hbm>>
    %dma_start3A_30 = arith.constant 0 : i32
    %dma_start3A_31 = tpu.memref_slice %arg2[%add3A_18, %dma_start3A_30] : memref<409600x64xf32, #tpu.memory_space<hbm>> -> memref<256x64xf32, #tpu.memory_space<hbm>>
    tpu.enqueue_dma source(%dma_start3A_31 : memref<256x64xf32, #tpu.memory_space<hbm>>) target(%arg10 : memref<256x64xf32, #tpu.memory_space<vmem>>) target_semaphore(%arg18 : memref<!tpu.dma_semaphore, #tpu.memory_space<semaphore_mem>>)
    %dma_wait3A = arith.constant 0 : i32
    %dma_wait3A_32 = arith.constant 0 : i32
    %dma_wait3A_33 = tpu.memref_slice %arg6[%dma_wait3A, %dma_wait3A_32] : memref<2x256xi32, #tpu.memory_space<vmem>> -> memref<1x256xi32, #tpu.memory_space<vmem>>
    %dma_wait3A_34 = tpu.memref_squeeze %dma_wait3A_33 : memref<1x256xi32, #tpu.memory_space<vmem>> -> memref<256xi32, #tpu.memory_space<vmem>>
    %dma_wait3A_35 = arith.constant 0 : i32
    %dma_wait3A_36 = tpu.memref_slice %arg3[%dma_wait3A_35] : memref<409600xi32, #tpu.memory_space<hbm>> -> memref<256xi32, #tpu.memory_space<hbm>>
    %dma_wait3A_37 = arith.constant 0 : i32
    %dma_wait3A_38 = tpu.memref_slice %arg6[%dma_wait3A, %dma_wait3A_37] : memref<2x256xi32, #tpu.memory_space<vmem>> -> memref<1x256xi32, #tpu.memory_space<vmem>>
    %dma_wait3A_39 = tpu.memref_squeeze %dma_wait3A_38 : memref<1x256xi32, #tpu.memory_space<vmem>> -> memref<256xi32, #tpu.memory_space<vmem>>
    %dma_wait3A_40 = arith.constant 0 : i32
    %dma_wait3A_41 = tpu.memref_slice %arg3[%dma_wait3A_40] : memref<409600xi32, #tpu.memory_space<hbm>> -> memref<256xi32, #tpu.memory_space<hbm>>
    tpu.wait_dma2 semaphore(%arg13 : memref<!tpu.dma_semaphore, #tpu.memory_space<semaphore_mem>>) src(%dma_wait3A_41 : memref<256xi32, #tpu.memory_space<hbm>>) dst(%dma_wait3A_39 : memref<256xi32, #tpu.memory_space<vmem>>)
    %dma_start3A_42 = arith.constant 0 : i32
    %dma_start3A_43 = arith.constant 0 : i32
    %dma_start3A_44 = tpu.memref_slice %arg6[%dma_start3A_42, %dma_start3A_43] : memref<2x256xi32, #tpu.memory_space<vmem>> -> memref<1x256xi32, #tpu.memory_space<vmem>>
    %dma_start3A_45 = tpu.memref_squeeze %dma_start3A_44 : memref<1x256xi32, #tpu.memory_space<vmem>> -> memref<256xi32, #tpu.memory_space<vmem>>
    %dma_start3A_46 = arith.constant 0 : i32
    %dma_start3A_47 = arith.constant 0 : i32
    %dma_start3A_48 = tpu.memref_slice %arg4[%dma_start3A_46, %dma_start3A_47] : memref<1000x64xf32, #tpu.memory_space<hbm>> -> memref<1000x64xf32, #tpu.memory_space<hbm>>
    tpu.enqueue_indirect_dma source(%dma_start3A_48 : memref<1000x64xf32, #tpu.memory_space<hbm>>) target(%arg7 : memref<256x64xf32, #tpu.memory_space<vmem>>) offsets(%dma_start3A_45 : memref<256xi32, #tpu.memory_space<vmem>>) semaphore(%arg15 : memref<!tpu.dma_semaphore, #tpu.memory_space<semaphore_mem>>)
    %scan3A = arith.constant 0 : i32
    %scan3A_49 = arith.constant 25 : i32
    %scan3A_50 = arith.addi %scan3A, %scan3A_49 : i32
    %scan3A_51 = arith.constant 1 : i32
    scf.for %scan3A_65 = %scan3A to %scan3A_50 step %scan3A_51  : i32 {
      %mul3A_66 = arith.constant 2 : i32
      %mul3A_67 = arith.muli %scan3A_65, %mul3A_66 : i32
      %add3A_68 = arith.constant 0 : i32
      %add3A_69 = arith.addi %add3A_68, %mul3A_67 : i32
      %add3A_70 = arith.constant 0 : i32
      %add3A_71 = arith.addi %add3A_69, %add3A_70 : i32
      %add3A_72 = arith.constant 1 : i32
      %add3A_73 = arith.addi %add3A_71, %add3A_72 : i32
      %lt3A = arith.constant 50 : i32
      %lt3A_74 = arith.cmpi slt, %add3A_73, %lt3A : i32
      %convert_element_type3A = arith.extui %lt3A_74 : i1 to i32
      %cond3A = arith.constant 0 : i32
      %cond3A_75 = arith.cmpi ne, %convert_element_type3A, %cond3A : i32
      scf.if %cond3A_75 {
        %dma_wait3A_151 = arith.constant 1 : i32
        %dma_wait3A_152 = arith.constant 0 : i32
        %dma_wait3A_153 = tpu.memref_slice %arg6[%dma_wait3A_151, %dma_wait3A_152] : memref<2x256xi32, #tpu.memory_space<vmem>> -> memref<1x256xi32, #tpu.memory_space<vmem>>
        %dma_wait3A_154 = tpu.memref_squeeze %dma_wait3A_153 : memref<1x256xi32, #tpu.memory_space<vmem>> -> memref<256xi32, #tpu.memory_space<vmem>>
        %dma_wait3A_155 = arith.constant 0 : i32
        %dma_wait3A_156 = tpu.memref_slice %arg3[%dma_wait3A_155] : memref<409600xi32, #tpu.memory_space<hbm>> -> memref<256xi32, #tpu.memory_space<hbm>>
        %dma_wait3A_157 = arith.constant 0 : i32
        %dma_wait3A_158 = tpu.memref_slice %arg6[%dma_wait3A_151, %dma_wait3A_157] : memref<2x256xi32, #tpu.memory_space<vmem>> -> memref<1x256xi32, #tpu.memory_space<vmem>>
        %dma_wait3A_159 = tpu.memref_squeeze %dma_wait3A_158 : memref<1x256xi32, #tpu.memory_space<vmem>> -> memref<256xi32, #tpu.memory_space<vmem>>
        %dma_wait3A_160 = arith.constant 0 : i32
        %dma_wait3A_161 = tpu.memref_slice %arg3[%dma_wait3A_160] : memref<409600xi32, #tpu.memory_space<hbm>> -> memref<256xi32, #tpu.memory_space<hbm>>
        tpu.wait_dma2 semaphore(%arg14 : memref<!tpu.dma_semaphore, #tpu.memory_space<semaphore_mem>>) src(%dma_wait3A_161 : memref<256xi32, #tpu.memory_space<hbm>>) dst(%dma_wait3A_159 : memref<256xi32, #tpu.memory_space<vmem>>)
        %dma_start3A_162 = arith.constant 1 : i32
        %dma_start3A_163 = arith.constant 0 : i32
        %dma_start3A_164 = tpu.memref_slice %arg6[%dma_start3A_162, %dma_start3A_163] : memref<2x256xi32, #tpu.memory_space<vmem>> -> memref<1x256xi32, #tpu.memory_space<vmem>>
        %dma_start3A_165 = tpu.memref_squeeze %dma_start3A_164 : memref<1x256xi32, #tpu.memory_space<vmem>> -> memref<256xi32, #tpu.memory_space<vmem>>
        %dma_start3A_166 = arith.constant 0 : i32
        %dma_start3A_167 = arith.constant 0 : i32
        %dma_start3A_168 = tpu.memref_slice %arg4[%dma_start3A_166, %dma_start3A_167] : memref<1000x64xf32, #tpu.memory_space<hbm>> -> memref<1000x64xf32, #tpu.memory_space<hbm>>
        tpu.enqueue_indirect_dma source(%dma_start3A_168 : memref<1000x64xf32, #tpu.memory_space<hbm>>) target(%arg8 : memref<256x64xf32, #tpu.memory_space<vmem>>) offsets(%dma_start3A_165 : memref<256xi32, #tpu.memory_space<vmem>>) semaphore(%arg16 : memref<!tpu.dma_semaphore, #tpu.memory_space<semaphore_mem>>)
      } else {
      }
      %dma_wait3A_76 = arith.constant 0 : i32
      %dma_wait3A_77 = arith.constant 0 : i32
      %dma_wait3A_78 = tpu.memref_slice %arg4[%dma_wait3A_76, %dma_wait3A_77] : memref<1000x64xf32, #tpu.memory_space<hbm>> -> memref<256x64xf32, #tpu.memory_space<hbm>>
      %dma_wait3A_79 = arith.constant 0 : i32
      %dma_wait3A_80 = arith.constant 0 : i32
      %dma_wait3A_81 = tpu.memref_slice %arg4[%dma_wait3A_79, %dma_wait3A_80] : memref<1000x64xf32, #tpu.memory_space<hbm>> -> memref<256x64xf32, #tpu.memory_space<hbm>>
      tpu.wait_dma2 semaphore(%arg15 : memref<!tpu.dma_semaphore, #tpu.memory_space<semaphore_mem>>) src(%dma_wait3A_81 : memref<256x64xf32, #tpu.memory_space<hbm>>) dst(%arg7 : memref<256x64xf32, #tpu.memory_space<vmem>>)
      %dma_wait3A_82 = arith.constant 0 : i32
      %dma_wait3A_83 = arith.constant 0 : i32
      %dma_wait3A_84 = tpu.memref_slice %arg2[%dma_wait3A_82, %dma_wait3A_83] : memref<409600x64xf32, #tpu.memory_space<hbm>> -> memref<256x64xf32, #tpu.memory_space<hbm>>
      %dma_wait3A_85 = arith.constant 0 : i32
      %dma_wait3A_86 = arith.constant 0 : i32
      %dma_wait3A_87 = tpu.memref_slice %arg2[%dma_wait3A_85, %dma_wait3A_86] : memref<409600x64xf32, #tpu.memory_space<hbm>> -> memref<256x64xf32, #tpu.memory_space<hbm>>
      tpu.wait_dma2 semaphore(%arg17 : memref<!tpu.dma_semaphore, #tpu.memory_space<semaphore_mem>>) src(%dma_wait3A_87 : memref<256x64xf32, #tpu.memory_space<hbm>>) dst(%arg9 : memref<256x64xf32, #tpu.memory_space<vmem>>)
      %ge3A = arith.constant 2 : i32
      %ge3A_88 = arith.cmpi sge, %add3A_71, %ge3A : i32
      %convert_element_type3A_89 = arith.extui %ge3A_88 : i1 to i32
      %cond3A_90 = arith.constant 0 : i32
      %cond3A_91 = arith.cmpi ne, %convert_element_type3A_89, %cond3A_90 : i32
      scf.if %cond3A_91 {
        %dma_wait3A_151 = arith.constant 0 : i32
        %dma_wait3A_152 = arith.constant 0 : i32
        %dma_wait3A_153 = tpu.memref_slice %arg5[%dma_wait3A_151, %dma_wait3A_152] : memref<409600x64xf32, #tpu.memory_space<hbm>> -> memref<256x64xf32, #tpu.memory_space<hbm>>
        %dma_wait3A_154 = arith.constant 0 : i32
        %dma_wait3A_155 = arith.constant 0 : i32
        %dma_wait3A_156 = tpu.memref_slice %arg5[%dma_wait3A_154, %dma_wait3A_155] : memref<409600x64xf32, #tpu.memory_space<hbm>> -> memref<256x64xf32, #tpu.memory_space<hbm>>
        tpu.wait_dma2 semaphore(%arg19 : memref<!tpu.dma_semaphore, #tpu.memory_space<semaphore_mem>>) src(%arg11 : memref<256x64xf32, #tpu.memory_space<vmem>>) dst(%dma_wait3A_156 : memref<256x64xf32, #tpu.memory_space<hbm>>)
      } else {
      }
      %parallel_loop3A = arith.constant 0 : i32
      %parallel_loop3A_92 = arith.constant 256 : i32
      %parallel_loop3A_93 = arith.constant 1 : i32
      scf.for %parallel_loop3A_151 = %parallel_loop3A to %parallel_loop3A_92 step %parallel_loop3A_93  : i32 {
        %parallel_loop3A_152 = arith.index_cast %parallel_loop3A_151 : i32 to index
        %parallel_loop3A_153 = arith.constant 0 : index
        %parallel_loop3A_154 = tpu.vector_load %arg9[%parallel_loop3A_152, %parallel_loop3A_153] {strides = array<i32>} : memref<256x64xf32, #tpu.memory_space<vmem>>, vector<16xf32>,
        %parallel_loop3A_155 = arith.index_cast %parallel_loop3A_151 : i32 to index
        %parallel_loop3A_156 = arith.constant 0 : index
        %parallel_loop3A_157 = tpu.vector_load %arg7[%parallel_loop3A_155, %parallel_loop3A_156] {strides = array<i32>} : memref<256x64xf32, #tpu.memory_space<vmem>>, vector<16xf32>,
        %parallel_loop3A_158 = arith.addf %parallel_loop3A_154, %parallel_loop3A_157 : vector<16xf32>
        %parallel_loop3A_159 = arith.index_cast %parallel_loop3A_151 : i32 to index
        %parallel_loop3A_160 = arith.constant 0 : index
        %parallel_loop3A_161 = tpu.vector_load %arg11[%parallel_loop3A_159, %parallel_loop3A_160] {strides = array<i32>} : memref<256x64xf32, #tpu.memory_space<vmem>>, vector<16xf32>,
        tpu.vector_store %arg11[%parallel_loop3A_159, %parallel_loop3A_160], %parallel_loop3A_158 {strides = array<i32>} : memref<256x64xf32, #tpu.memory_space<vmem>>, vector<16xf32>,
        %parallel_loop3A_162 = arith.index_cast %parallel_loop3A_151 : i32 to index
        %parallel_loop3A_163 = arith.constant 16 : index
        %parallel_loop3A_164 = tpu.vector_load %arg9[%parallel_loop3A_162, %parallel_loop3A_163] {strides = array<i32>} : memref<256x64xf32, #tpu.memory_space<vmem>>, vector<16xf32>,
        %parallel_loop3A_165 = arith.index_cast %parallel_loop3A_151 : i32 to index
        %parallel_loop3A_166 = arith.constant 16 : index
        %parallel_loop3A_167 = tpu.vector_load %arg7[%parallel_loop3A_165, %parallel_loop3A_166] {strides = array<i32>} : memref<256x64xf32, #tpu.memory_space<vmem>>, vector<16xf32>,
        %parallel_loop3A_168 = arith.addf %parallel_loop3A_164, %parallel_loop3A_167 : vector<16xf32>
        %parallel_loop3A_169 = arith.index_cast %parallel_loop3A_151 : i32 to index
        %parallel_loop3A_170 = arith.constant 16 : index
        %parallel_loop3A_171 = tpu.vector_load %arg11[%parallel_loop3A_169, %parallel_loop3A_170] {strides = array<i32>} : memref<256x64xf32, #tpu.memory_space<vmem>>, vector<16xf32>,
        tpu.vector_store %arg11[%parallel_loop3A_169, %parallel_loop3A_170], %parallel_loop3A_168 {strides = array<i32>} : memref<256x64xf32, #tpu.memory_space<vmem>>, vector<16xf32>,
        %parallel_loop3A_172 = arith.index_cast %parallel_loop3A_151 : i32 to index
        %parallel_loop3A_173 = arith.constant 32 : index
        %parallel_loop3A_174 = tpu.vector_load %arg9[%parallel_loop3A_172, %parallel_loop3A_173] {strides = array<i32>} : memref<256x64xf32, #tpu.memory_space<vmem>>, vector<16xf32>,
        %parallel_loop3A_175 = arith.index_cast %parallel_loop3A_151 : i32 to index
        %parallel_loop3A_176 = arith.constant 32 : index
        %parallel_loop3A_177 = tpu.vector_load %arg7[%parallel_loop3A_175, %parallel_loop3A_176] {strides = array<i32>} : memref<256x64xf32, #tpu.memory_space<vmem>>, vector<16xf32>,
        %parallel_loop3A_178 = arith.addf %parallel_loop3A_174, %parallel_loop3A_177 : vector<16xf32>
        %parallel_loop3A_179 = arith.index_cast %parallel_loop3A_151 : i32 to index
        %parallel_loop3A_180 = arith.constant 32 : index
        %parallel_loop3A_181 = tpu.vector_load %arg11[%parallel_loop3A_179, %parallel_loop3A_180] {strides = array<i32>} : memref<256x64xf32, #tpu.memory_space<vmem>>, vector<16xf32>,
        tpu.vector_store %arg11[%parallel_loop3A_179, %parallel_loop3A_180], %parallel_loop3A_178 {strides = array<i32>} : memref<256x64xf32, #tpu.memory_space<vmem>>, vector<16xf32>,
        %parallel_loop3A_182 = arith.index_cast %parallel_loop3A_151 : i32 to index
        %parallel_loop3A_183 = arith.constant 48 : index
        %parallel_loop3A_184 = tpu.vector_load %arg9[%parallel_loop3A_182, %parallel_loop3A_183] {strides = array<i32>} : memref<256x64xf32, #tpu.memory_space<vmem>>, vector<16xf32>,
        %parallel_loop3A_185 = arith.index_cast %parallel_loop3A_151 : i32 to index
        %parallel_loop3A_186 = arith.constant 48 : index
        %parallel_loop3A_187 = tpu.vector_load %arg7[%parallel_loop3A_185, %parallel_loop3A_186] {strides = array<i32>} : memref<256x64xf32, #tpu.memory_space<vmem>>, vector<16xf32>,
        %parallel_loop3A_188 = arith.addf %parallel_loop3A_184, %parallel_loop3A_187 : vector<16xf32>
        %parallel_loop3A_189 = arith.index_cast %parallel_loop3A_151 : i32 to index
        %parallel_loop3A_190 = arith.constant 48 : index
        %parallel_loop3A_191 = tpu.vector_load %arg11[%parallel_loop3A_189, %parallel_loop3A_190] {strides = array<i32>} : memref<256x64xf32, #tpu.memory_space<vmem>>, vector<16xf32>,
        tpu.vector_store %arg11[%parallel_loop3A_189, %parallel_loop3A_190], %parallel_loop3A_188 {strides = array<i32>} : memref<256x64xf32, #tpu.memory_space<vmem>>, vector<16xf32>,
      } {sc.loop_unroll_factor = 8 : i64, sc.parallel_access}
      %mul3A_94 = arith.constant 256 : i32
      %mul3A_95 = arith.muli %add3A_71, %mul3A_94 : i32
      %add3A_96 = arith.addi %mul3A_2, %mul3A_95 : i32
      %dma_start3A_97 = arith.constant 0 : i32
      %dma_start3A_98 = tpu.memref_slice %arg5[%add3A_96, %dma_start3A_97] : memref<409600x64xf32, #tpu.memory_space<hbm>> -> memref<256x64xf32, #tpu.memory_space<hbm>>
      %dma_start3A_99 = arith.constant 0 : i32
      %dma_start3A_100 = tpu.memref_slice %arg5[%add3A_96, %dma_start3A_99] : memref<409600x64xf32, #tpu.memory_space<hbm>> -> memref<256x64xf32, #tpu.memory_space<hbm>>
      tpu.enqueue_dma source(%arg11 : memref<256x64xf32, #tpu.memory_space<vmem>>) target(%dma_start3A_100 : memref<256x64xf32, #tpu.memory_space<hbm>>) target_semaphore(%arg19 : memref<!tpu.dma_semaphore, #tpu.memory_space<semaphore_mem>>)
      %add3A_101 = arith.constant 2 : i32
      %add3A_102 = arith.addi %add3A_71, %add3A_101 : i32
      %lt3A_103 = arith.constant 50 : i32
      %lt3A_104 = arith.cmpi slt, %add3A_102, %lt3A_103 : i32
      %convert_element_type3A_105 = arith.extui %lt3A_104 : i1 to i32
      %cond3A_106 = arith.constant 0 : i32
      %cond3A_107 = arith.cmpi ne, %convert_element_type3A_105, %cond3A_106 : i32
      scf.if %cond3A_107 {
        %add3A_151 = arith.constant 2 : i32
        %add3A_152 = arith.addi %add3A_71, %add3A_151 : i32
        %mul3A_153 = arith.constant 256 : i32
        %mul3A_154 = arith.muli %add3A_152, %mul3A_153 : i32
        %add3A_155 = arith.addi %mul3A_2, %mul3A_154 : i32
        %dma_start3A_156 = arith.constant 0 : i32
        %dma_start3A_157 = arith.constant 0 : i32
        %dma_start3A_158 = tpu.memref_slice %arg6[%dma_start3A_156, %dma_start3A_157] : memref<2x256xi32, #tpu.memory_space<vmem>> -> memref<1x256xi32, #tpu.memory_space<vmem>>
        %dma_start3A_159 = tpu.memref_squeeze %dma_start3A_158 : memref<1x256xi32, #tpu.memory_space<vmem>> -> memref<256xi32, #tpu.memory_space<vmem>>
        %dma_start3A_160 = tpu.memref_slice %arg3[%add3A_155] : memref<409600xi32, #tpu.memory_space<hbm>> -> memref<256xi32, #tpu.memory_space<hbm>>
        %dma_start3A_161 = arith.constant 0 : i32
        %dma_start3A_162 = tpu.memref_slice %arg6[%dma_start3A_156, %dma_start3A_161] : memref<2x256xi32, #tpu.memory_space<vmem>> -> memref<1x256xi32, #tpu.memory_space<vmem>>
        %dma_start3A_163 = tpu.memref_squeeze %dma_start3A_162 : memref<1x256xi32, #tpu.memory_space<vmem>> -> memref<256xi32, #tpu.memory_space<vmem>>
        %dma_start3A_164 = tpu.memref_slice %arg3[%add3A_155] : memref<409600xi32, #tpu.memory_space<hbm>> -> memref<256xi32, #tpu.memory_space<hbm>>
        tpu.enqueue_dma source(%dma_start3A_164 : memref<256xi32, #tpu.memory_space<hbm>>) target(%dma_start3A_163 : memref<256xi32, #tpu.memory_space<vmem>>) target_semaphore(%arg13 : memref<!tpu.dma_semaphore, #tpu.memory_space<semaphore_mem>>)
        %dma_start3A_165 = arith.constant 0 : i32
        %dma_start3A_166 = tpu.memref_slice %arg2[%add3A_155, %dma_start3A_165] : memref<409600x64xf32, #tpu.memory_space<hbm>> -> memref<256x64xf32, #tpu.memory_space<hbm>>
        %dma_start3A_167 = arith.constant 0 : i32
        %dma_start3A_168 = tpu.memref_slice %arg2[%add3A_155, %dma_start3A_167] : memref<409600x64xf32, #tpu.memory_space<hbm>> -> memref<256x64xf32, #tpu.memory_space<hbm>>
        tpu.enqueue_dma source(%dma_start3A_168 : memref<256x64xf32, #tpu.memory_space<hbm>>) target(%arg9 : memref<256x64xf32, #tpu.memory_space<vmem>>) target_semaphore(%arg17 : memref<!tpu.dma_semaphore, #tpu.memory_space<semaphore_mem>>)
      } else {
      }
      %add3A_108 = arith.constant 1 : i32
      %add3A_109 = arith.addi %add3A_69, %add3A_108 : i32
      %add3A_110 = arith.constant 1 : i32
      %add3A_111 = arith.addi %add3A_109, %add3A_110 : i32
      %lt3A_112 = arith.constant 50 : i32
      %lt3A_113 = arith.cmpi slt, %add3A_111, %lt3A_112 : i32
      %convert_element_type3A_114 = arith.extui %lt3A_113 : i1 to i32
      %cond3A_115 = arith.constant 0 : i32
      %cond3A_116 = arith.cmpi ne, %convert_element_type3A_114, %cond3A_115 : i32
      scf.if %cond3A_116 {
        %dma_wait3A_151 = arith.constant 0 : i32
        %dma_wait3A_152 = arith.constant 0 : i32
        %dma_wait3A_153 = tpu.memref_slice %arg6[%dma_wait3A_151, %dma_wait3A_152] : memref<2x256xi32, #tpu.memory_space<vmem>> -> memref<1x256xi32, #tpu.memory_space<vmem>>
        %dma_wait3A_154 = tpu.memref_squeeze %dma_wait3A_153 : memref<1x256xi32, #tpu.memory_space<vmem>> -> memref<256xi32, #tpu.memory_space<vmem>>
        %dma_wait3A_155 = arith.constant 0 : i32
        %dma_wait3A_156 = tpu.memref_slice %arg3[%dma_wait3A_155] : memref<409600xi32, #tpu.memory_space<hbm>> -> memref<256xi32, #tpu.memory_space<hbm>>
        %dma_wait3A_157 = arith.constant 0 : i32
        %dma_wait3A_158 = tpu.memref_slice %arg6[%dma_wait3A_151, %dma_wait3A_157] : memref<2x256xi32, #tpu.memory_space<vmem>> -> memref<1x256xi32, #tpu.memory_space<vmem>>
        %dma_wait3A_159 = tpu.memref_squeeze %dma_wait3A_158 : memref<1x256xi32, #tpu.memory_space<vmem>> -> memref<256xi32, #tpu.memory_space<vmem>>
        %dma_wait3A_160 = arith.constant 0 : i32
        %dma_wait3A_161 = tpu.memref_slice %arg3[%dma_wait3A_160] : memref<409600xi32, #tpu.memory_space<hbm>> -> memref<256xi32, #tpu.memory_space<hbm>>
        tpu.wait_dma2 semaphore(%arg13 : memref<!tpu.dma_semaphore, #tpu.memory_space<semaphore_mem>>) src(%dma_wait3A_161 : memref<256xi32, #tpu.memory_space<hbm>>) dst(%dma_wait3A_159 : memref<256xi32, #tpu.memory_space<vmem>>)
        %dma_start3A_162 = arith.constant 0 : i32
        %dma_start3A_163 = arith.constant 0 : i32
        %dma_start3A_164 = tpu.memref_slice %arg6[%dma_start3A_162, %dma_start3A_163] : memref<2x256xi32, #tpu.memory_space<vmem>> -> memref<1x256xi32, #tpu.memory_space<vmem>>
        %dma_start3A_165 = tpu.memref_squeeze %dma_start3A_164 : memref<1x256xi32, #tpu.memory_space<vmem>> -> memref<256xi32, #tpu.memory_space<vmem>>
        %dma_start3A_166 = arith.constant 0 : i32
        %dma_start3A_167 = arith.constant 0 : i32
        %dma_start3A_168 = tpu.memref_slice %arg4[%dma_start3A_166, %dma_start3A_167] : memref<1000x64xf32, #tpu.memory_space<hbm>> -> memref<1000x64xf32, #tpu.memory_space<hbm>>
        tpu.enqueue_indirect_dma source(%dma_start3A_168 : memref<1000x64xf32, #tpu.memory_space<hbm>>) target(%arg7 : memref<256x64xf32, #tpu.memory_space<vmem>>) offsets(%dma_start3A_165 : memref<256xi32, #tpu.memory_space<vmem>>) semaphore(%arg15 : memref<!tpu.dma_semaphore, #tpu.memory_space<semaphore_mem>>)
      } else {
      }
      %dma_wait3A_117 = arith.constant 0 : i32
      %dma_wait3A_118 = arith.constant 0 : i32
      %dma_wait3A_119 = tpu.memref_slice %arg4[%dma_wait3A_117, %dma_wait3A_118] : memref<1000x64xf32, #tpu.memory_space<hbm>> -> memref<256x64xf32, #tpu.memory_space<hbm>>
      %dma_wait3A_120 = arith.constant 0 : i32
      %dma_wait3A_121 = arith.constant 0 : i32
      %dma_wait3A_122 = tpu.memref_slice %arg4[%dma_wait3A_120, %dma_wait3A_121] : memref<1000x64xf32, #tpu.memory_space<hbm>> -> memref<256x64xf32, #tpu.memory_space<hbm>>
      tpu.wait_dma2 semaphore(%arg16 : memref<!tpu.dma_semaphore, #tpu.memory_space<semaphore_mem>>) src(%dma_wait3A_122 : memref<256x64xf32, #tpu.memory_space<hbm>>) dst(%arg8 : memref<256x64xf32, #tpu.memory_space<vmem>>)
      %dma_wait3A_123 = arith.constant 0 : i32
      %dma_wait3A_124 = arith.constant 0 : i32
      %dma_wait3A_125 = tpu.memref_slice %arg2[%dma_wait3A_123, %dma_wait3A_124] : memref<409600x64xf32, #tpu.memory_space<hbm>> -> memref<256x64xf32, #tpu.memory_space<hbm>>
      %dma_wait3A_126 = arith.constant 0 : i32
      %dma_wait3A_127 = arith.constant 0 : i32
      %dma_wait3A_128 = tpu.memref_slice %arg2[%dma_wait3A_126, %dma_wait3A_127] : memref<409600x64xf32, #tpu.memory_space<hbm>> -> memref<256x64xf32, #tpu.memory_space<hbm>>
      tpu.wait_dma2 semaphore(%arg18 : memref<!tpu.dma_semaphore, #tpu.memory_space<semaphore_mem>>) src(%dma_wait3A_128 : memref<256x64xf32, #tpu.memory_space<hbm>>) dst(%arg10 : memref<256x64xf32, #tpu.memory_space<vmem>>)
      %ge3A_129 = arith.constant 2 : i32
      %ge3A_130 = arith.cmpi sge, %add3A_109, %ge3A_129 : i32
      %convert_element_type3A_131 = arith.extui %ge3A_130 : i1 to i32
      %cond3A_132 = arith.constant 0 : i32
      %cond3A_133 = arith.cmpi ne, %convert_element_type3A_131, %cond3A_132 : i32
      scf.if %cond3A_133 {
        %dma_wait3A_151 = arith.constant 0 : i32
        %dma_wait3A_152 = arith.constant 0 : i32
        %dma_wait3A_153 = tpu.memref_slice %arg5[%dma_wait3A_151, %dma_wait3A_152] : memref<409600x64xf32, #tpu.memory_space<hbm>> -> memref<256x64xf32, #tpu.memory_space<hbm>>
        %dma_wait3A_154 = arith.constant 0 : i32
        %dma_wait3A_155 = arith.constant 0 : i32
        %dma_wait3A_156 = tpu.memref_slice %arg5[%dma_wait3A_154, %dma_wait3A_155] : memref<409600x64xf32, #tpu.memory_space<hbm>> -> memref<256x64xf32, #tpu.memory_space<hbm>>
        tpu.wait_dma2 semaphore(%arg20 : memref<!tpu.dma_semaphore, #tpu.memory_space<semaphore_mem>>) src(%arg12 : memref<256x64xf32, #tpu.memory_space<vmem>>) dst(%dma_wait3A_156 : memref<256x64xf32, #tpu.memory_space<hbm>>)
      } else {
      }
      %parallel_loop3A_134 = arith.constant 0 : i32
      %parallel_loop3A_135 = arith.constant 256 : i32
      %parallel_loop3A_136 = arith.constant 1 : i32
      scf.for %parallel_loop3A_151 = %parallel_loop3A_134 to %parallel_loop3A_135 step %parallel_loop3A_136  : i32 {
        %parallel_loop3A_152 = arith.index_cast %parallel_loop3A_151 : i32 to index
        %parallel_loop3A_153 = arith.constant 0 : index
        %parallel_loop3A_154 = tpu.vector_load %arg10[%parallel_loop3A_152, %parallel_loop3A_153] {strides = array<i32>} : memref<256x64xf32, #tpu.memory_space<vmem>>, vector<16xf32>,
        %parallel_loop3A_155 = arith.index_cast %parallel_loop3A_151 : i32 to index
        %parallel_loop3A_156 = arith.constant 0 : index
        %parallel_loop3A_157 = tpu.vector_load %arg8[%parallel_loop3A_155, %parallel_loop3A_156] {strides = array<i32>} : memref<256x64xf32, #tpu.memory_space<vmem>>, vector<16xf32>,
        %parallel_loop3A_158 = arith.addf %parallel_loop3A_154, %parallel_loop3A_157 : vector<16xf32>
        %parallel_loop3A_159 = arith.index_cast %parallel_loop3A_151 : i32 to index
        %parallel_loop3A_160 = arith.constant 0 : index
        %parallel_loop3A_161 = tpu.vector_load %arg12[%parallel_loop3A_159, %parallel_loop3A_160] {strides = array<i32>} : memref<256x64xf32, #tpu.memory_space<vmem>>, vector<16xf32>,
        tpu.vector_store %arg12[%parallel_loop3A_159, %parallel_loop3A_160], %parallel_loop3A_158 {strides = array<i32>} : memref<256x64xf32, #tpu.memory_space<vmem>>, vector<16xf32>,
        %parallel_loop3A_162 = arith.index_cast %parallel_loop3A_151 : i32 to index
        %parallel_loop3A_163 = arith.constant 16 : index
        %parallel_loop3A_164 = tpu.vector_load %arg10[%parallel_loop3A_162, %parallel_loop3A_163] {strides = array<i32>} : memref<256x64xf32, #tpu.memory_space<vmem>>, vector<16xf32>,
        %parallel_loop3A_165 = arith.index_cast %parallel_loop3A_151 : i32 to index
        %parallel_loop3A_166 = arith.constant 16 : index
        %parallel_loop3A_167 = tpu.vector_load %arg8[%parallel_loop3A_165, %parallel_loop3A_166] {strides = array<i32>} : memref<256x64xf32, #tpu.memory_space<vmem>>, vector<16xf32>,
        %parallel_loop3A_168 = arith.addf %parallel_loop3A_164, %parallel_loop3A_167 : vector<16xf32>
        %parallel_loop3A_169 = arith.index_cast %parallel_loop3A_151 : i32 to index
        %parallel_loop3A_170 = arith.constant 16 : index
        %parallel_loop3A_171 = tpu.vector_load %arg12[%parallel_loop3A_169, %parallel_loop3A_170] {strides = array<i32>} : memref<256x64xf32, #tpu.memory_space<vmem>>, vector<16xf32>,
        tpu.vector_store %arg12[%parallel_loop3A_169, %parallel_loop3A_170], %parallel_loop3A_168 {strides = array<i32>} : memref<256x64xf32, #tpu.memory_space<vmem>>, vector<16xf32>,
        %parallel_loop3A_172 = arith.index_cast %parallel_loop3A_151 : i32 to index
        %parallel_loop3A_173 = arith.constant 32 : index
        %parallel_loop3A_174 = tpu.vector_load %arg10[%parallel_loop3A_172, %parallel_loop3A_173] {strides = array<i32>} : memref<256x64xf32, #tpu.memory_space<vmem>>, vector<16xf32>,
        %parallel_loop3A_175 = arith.index_cast %parallel_loop3A_151 : i32 to index
        %parallel_loop3A_176 = arith.constant 32 : index
        %parallel_loop3A_177 = tpu.vector_load %arg8[%parallel_loop3A_175, %parallel_loop3A_176] {strides = array<i32>} : memref<256x64xf32, #tpu.memory_space<vmem>>, vector<16xf32>,
        %parallel_loop3A_178 = arith.addf %parallel_loop3A_174, %parallel_loop3A_177 : vector<16xf32>
        %parallel_loop3A_179 = arith.index_cast %parallel_loop3A_151 : i32 to index
        %parallel_loop3A_180 = arith.constant 32 : index
        %parallel_loop3A_181 = tpu.vector_load %arg12[%parallel_loop3A_179, %parallel_loop3A_180] {strides = array<i32>} : memref<256x64xf32, #tpu.memory_space<vmem>>, vector<16xf32>,
        tpu.vector_store %arg12[%parallel_loop3A_179, %parallel_loop3A_180], %parallel_loop3A_178 {strides = array<i32>} : memref<256x64xf32, #tpu.memory_space<vmem>>, vector<16xf32>,
        %parallel_loop3A_182 = arith.index_cast %parallel_loop3A_151 : i32 to index
        %parallel_loop3A_183 = arith.constant 48 : index
        %parallel_loop3A_184 = tpu.vector_load %arg10[%parallel_loop3A_182, %parallel_loop3A_183] {strides = array<i32>} : memref<256x64xf32, #tpu.memory_space<vmem>>, vector<16xf32>,
        %parallel_loop3A_185 = arith.index_cast %parallel_loop3A_151 : i32 to index
        %parallel_loop3A_186 = arith.constant 48 : index
        %parallel_loop3A_187 = tpu.vector_load %arg8[%parallel_loop3A_185, %parallel_loop3A_186] {strides = array<i32>} : memref<256x64xf32, #tpu.memory_space<vmem>>, vector<16xf32>,
        %parallel_loop3A_188 = arith.addf %parallel_loop3A_184, %parallel_loop3A_187 : vector<16xf32>
        %parallel_loop3A_189 = arith.index_cast %parallel_loop3A_151 : i32 to index
        %parallel_loop3A_190 = arith.constant 48 : index
        %parallel_loop3A_191 = tpu.vector_load %arg12[%parallel_loop3A_189, %parallel_loop3A_190] {strides = array<i32>} : memref<256x64xf32, #tpu.memory_space<vmem>>, vector<16xf32>,
        tpu.vector_store %arg12[%parallel_loop3A_189, %parallel_loop3A_190], %parallel_loop3A_188 {strides = array<i32>} : memref<256x64xf32, #tpu.memory_space<vmem>>, vector<16xf32>,
      } {sc.loop_unroll_factor = 8 : i64, sc.parallel_access}
      %mul3A_137 = arith.constant 256 : i32
      %mul3A_138 = arith.muli %add3A_109, %mul3A_137 : i32
      %add3A_139 = arith.addi %mul3A_2, %mul3A_138 : i32
      %dma_start3A_140 = arith.constant 0 : i32
      %dma_start3A_141 = tpu.memref_slice %arg5[%add3A_139, %dma_start3A_140] : memref<409600x64xf32, #tpu.memory_space<hbm>> -> memref<256x64xf32, #tpu.memory_space<hbm>>
      %dma_start3A_142 = arith.constant 0 : i32
      %dma_start3A_143 = tpu.memref_slice %arg5[%add3A_139, %dma_start3A_142] : memref<409600x64xf32, #tpu.memory_space<hbm>> -> memref<256x64xf32, #tpu.memory_space<hbm>>
      tpu.enqueue_dma source(%arg12 : memref<256x64xf32, #tpu.memory_space<vmem>>) target(%dma_start3A_143 : memref<256x64xf32, #tpu.memory_space<hbm>>) target_semaphore(%arg20 : memref<!tpu.dma_semaphore, #tpu.memory_space<semaphore_mem>>)
      %add3A_144 = arith.constant 2 : i32
      %add3A_145 = arith.addi %add3A_109, %add3A_144 : i32
      %lt3A_146 = arith.constant 50 : i32
      %lt3A_147 = arith.cmpi slt, %add3A_145, %lt3A_146 : i32
      %convert_element_type3A_148 = arith.extui %lt3A_147 : i1 to i32
      %cond3A_149 = arith.constant 0 : i32
      %cond3A_150 = arith.cmpi ne, %convert_element_type3A_148, %cond3A_149 : i32
      scf.if %cond3A_150 {
        %add3A_151 = arith.constant 2 : i32
        %add3A_152 = arith.addi %add3A_109, %add3A_151 : i32
        %mul3A_153 = arith.constant 256 : i32
        %mul3A_154 = arith.muli %add3A_152, %mul3A_153 : i32
        %add3A_155 = arith.addi %mul3A_2, %mul3A_154 : i32
        %dma_start3A_156 = arith.constant 1 : i32
        %dma_start3A_157 = arith.constant 0 : i32
        %dma_start3A_158 = tpu.memref_slice %arg6[%dma_start3A_156, %dma_start3A_157] : memref<2x256xi32, #tpu.memory_space<vmem>> -> memref<1x256xi32, #tpu.memory_space<vmem>>
        %dma_start3A_159 = tpu.memref_squeeze %dma_start3A_158 : memref<1x256xi32, #tpu.memory_space<vmem>> -> memref<256xi32, #tpu.memory_space<vmem>>
        %dma_start3A_160 = tpu.memref_slice %arg3[%add3A_155] : memref<409600xi32, #tpu.memory_space<hbm>> -> memref<256xi32, #tpu.memory_space<hbm>>
        %dma_start3A_161 = arith.constant 0 : i32
        %dma_start3A_162 = tpu.memref_slice %arg6[%dma_start3A_156, %dma_start3A_161] : memref<2x256xi32, #tpu.memory_space<vmem>> -> memref<1x256xi32, #tpu.memory_space<vmem>>
        %dma_start3A_163 = tpu.memref_squeeze %dma_start3A_162 : memref<1x256xi32, #tpu.memory_space<vmem>> -> memref<256xi32, #tpu.memory_space<vmem>>
        %dma_start3A_164 = tpu.memref_slice %arg3[%add3A_155] : memref<409600xi32, #tpu.memory_space<hbm>> -> memref<256xi32, #tpu.memory_space<hbm>>
        tpu.enqueue_dma source(%dma_start3A_164 : memref<256xi32, #tpu.memory_space<hbm>>) target(%dma_start3A_163 : memref<256xi32, #tpu.memory_space<vmem>>) target_semaphore(%arg14 : memref<!tpu.dma_semaphore, #tpu.memory_space<semaphore_mem>>)
        %dma_start3A_165 = arith.constant 0 : i32
        %dma_start3A_166 = tpu.memref_slice %arg2[%add3A_155, %dma_start3A_165] : memref<409600x64xf32, #tpu.memory_space<hbm>> -> memref<256x64xf32, #tpu.memory_space<hbm>>
        %dma_start3A_167 = arith.constant 0 : i32
        %dma_start3A_168 = tpu.memref_slice %arg2[%add3A_155, %dma_start3A_167] : memref<409600x64xf32, #tpu.memory_space<hbm>> -> memref<256x64xf32, #tpu.memory_space<hbm>>
        tpu.enqueue_dma source(%dma_start3A_168 : memref<256x64xf32, #tpu.memory_space<hbm>>) target(%arg10 : memref<256x64xf32, #tpu.memory_space<vmem>>) target_semaphore(%arg18 : memref<!tpu.dma_semaphore, #tpu.memory_space<semaphore_mem>>)
      } else {
      }
    }
    %scan3A_52 = arith.constant 25 : i32
    %dma_wait3A_53 = arith.constant 0 : i32
    %dma_wait3A_54 = arith.constant 0 : i32
    %dma_wait3A_55 = tpu.memref_slice %arg5[%dma_wait3A_53, %dma_wait3A_54] : memref<409600x64xf32, #tpu.memory_space<hbm>> -> memref<256x64xf32, #tpu.memory_space<hbm>>
    %dma_wait3A_56 = arith.constant 0 : i32
    %dma_wait3A_57 = arith.constant 0 : i32
    %dma_wait3A_58 = tpu.memref_slice %arg5[%dma_wait3A_56, %dma_wait3A_57] : memref<409600x64xf32, #tpu.memory_space<hbm>> -> memref<256x64xf32, #tpu.memory_space<hbm>>
    tpu.wait_dma2 semaphore(%arg19 : memref<!tpu.dma_semaphore, #tpu.memory_space<semaphore_mem>>) src(%arg11 : memref<256x64xf32, #tpu.memory_space<vmem>>) dst(%dma_wait3A_58 : memref<256x64xf32, #tpu.memory_space<hbm>>)
    %dma_wait3A_59 = arith.constant 0 : i32
    %dma_wait3A_60 = arith.constant 0 : i32
    %dma_wait3A_61 = tpu.memref_slice %arg5[%dma_wait3A_59, %dma_wait3A_60] : memref<409600x64xf32, #tpu.memory_space<hbm>> -> memref<256x64xf32, #tpu.memory_space<hbm>>
    %dma_wait3A_62 = arith.constant 0 : i32
    %dma_wait3A_63 = arith.constant 0 : i32
    %dma_wait3A_64 = tpu.memref_slice %arg5[%dma_wait3A_62, %dma_wait3A_63] : memref<409600x64xf32, #tpu.memory_space<hbm>> -> memref<256x64xf32, #tpu.memory_space<hbm>>
    tpu.wait_dma2 semaphore(%arg20 : memref<!tpu.dma_semaphore, #tpu.memory_space<semaphore_mem>>) src(%arg12 : memref<256x64xf32, #tpu.memory_space<vmem>>) dst(%dma_wait3A_64 : memref<256x64xf32, #tpu.memory_space<hbm>>)
    return
  }
}

module attributes {stable_mosaic.version = 14 : i64} {
  func.func @_tc_body(%arg0: i32, %arg1: memref<512xi32, #tpu.memory_space<vmem>>, %arg2: memref<512x64xf32, #tpu.memory_space<vmem>>, %arg3: memref<1024x64xf32, #tpu.memory_space<vmem>>, %arg4: memref<512x64xf32, #tpu.memory_space<vmem>>) attributes {dimension_semantics = [#tpu.dimension_semantics<arbitrary>], iteration_bounds = array<i64: 800>, scalar_prefetch = 0 : i64, scratch_operands = 0 : i64, tpu.core_type = #tpu.core_type<tc>, window_params = [{transform_indices = @transform_0, window_bounds = array<i64: 512>}, {transform_indices = @transform_1, window_bounds = array<i64: 512, 64>}, {pipeline_mode = #tpu.pipeline_mode<synchronous>, transform_indices = @transform_2, window_bounds = array<i64: 1024, 64>}, {transform_indices = @transform_3, window_bounds = array<i64: 512, 64>}]} {
    %get3A = arith.constant 0 : index
    %get3A_0 = vector.load %arg1[%get3A] : memref<512xi32, #tpu.memory_space<vmem>>, vector<512xi32>
    %broadcast_in_dim3A = vector.shape_cast %get3A_0 : vector<512xi32> to vector<512x1xi32>
    %iota3A = tpu.iota {dimensions = array<i32: 1>} : vector<512x1024xi32>
    %eq3A = vector.broadcast %broadcast_in_dim3A : vector<512x1xi32> to vector<512x1024xi32>
    %eq3A_1 = arith.cmpi eq, %eq3A, %iota3A : vector<512x1024xi32>
    %convert_element_type3A = arith.extui %eq3A_1 : vector<512x1024xi1> to vector<512x1024xi32>
    %convert_element_type3A_2 = arith.sitofp %convert_element_type3A : vector<512x1024xi32> to vector<512x1024xf32>
    %get3A_3 = arith.constant 0 : index
    %get3A_4 = arith.constant 0 : index
    %get3A_5 = vector.load %arg2[%get3A_3, %get3A_4] : memref<512x64xf32, #tpu.memory_space<vmem>>, vector<512x64xf32>
    %get3A_6 = arith.constant 0 : index
    %get3A_7 = arith.constant 0 : index
    %get3A_8 = vector.load %arg3[%get3A_6, %get3A_7] : memref<1024x64xf32, #tpu.memory_space<vmem>>, vector<1024x64xf32>
    %dot_general3A = arith.constant dense<0.000000e+00> : vector<512x64xf32>
    %dot_general3A_9 = tpu.matmul %convert_element_type3A_2, %get3A_8, %dot_general3A {dimension_numbers = #tpu.dot_dimension_numbers<[1], [0], [0], [1], [0, 0, 1, 1], [], []>, transpose_lhs_hint = false} : vector<512x1024xf32>, vector<1024x64xf32>, vector<512x64xf32> -> vector<512x64xf32>
    %add3A = arith.addf %get3A_5, %dot_general3A_9 : vector<512x64xf32>
    %swap3A = arith.constant 0 : index
    %swap3A_10 = arith.constant 0 : index
    %swap3A_11 = vector.load %arg4[%swap3A, %swap3A_10] : memref<512x64xf32, #tpu.memory_space<vmem>>, vector<512x64xf32>
    tpu.vector_store %arg4[%swap3A, %swap3A_10], %add3A {strides = array<i32>} : memref<512x64xf32, #tpu.memory_space<vmem>>, vector<512x64xf32>,
    return
  }
  func.func @transform_0(%arg0: i32) -> i32 {
    %c0_i32 = arith.constant 0 : i32
    return %arg0 : i32
  }
  func.func @transform_1(%arg0: i32) -> (i32, i32) {
    %c0_i32 = arith.constant 0 : i32
    %c0_i32_0 = arith.constant 0 : i32
    return %arg0, %c0_i32 : i32, i32
  }
  func.func @transform_2(%arg0: i32) -> (i32, i32) {
    %c0_i32 = arith.constant 0 : i32
    %c0_i32_0 = arith.constant 0 : i32
    %c0_i32_1 = arith.constant 0 : i32
    return %c0_i32, %c0_i32_0 : i32, i32
  }
  func.func @transform_3(%arg0: i32) -> (i32, i32) {
    %c0_i32 = arith.constant 0 : i32
    %c0_i32_0 = arith.constant 0 : i32
    return %arg0, %c0_i32 : i32, i32
  }
}

</mosaic_0001>

<sc_bundles>
// kernel: _run.4.cloned.1.call-start
scs
__scs_entry_jumppad:
0x0: {  	(pc) =	sbr.rel $0x88, $3  }
0x1: {  	(tag) =	ssettag $0x0;
	lr =	simm.s32 $0x1  }
0x2: {  	[smem:$0x3F9E] =	sst lr;
	_ =	strace $0xD0000000  }
0x3: {  	_ = 	snop  }
0x4: {  	_ = 	snop  }
0x5: {  	_ = 	snop  }
0x6: {  	_ = 	snop  }
0x7: {  	_ = 	snop  }
__scs_overlays_trampoline_lowered:
0x8: {  	[smem:$0x3FAD] =	sst s0  }
0x9: {  	[smem:$0x3FAE] =	sst s1  }
0xa: {  	[smem:$0x3FAF] =	sst s2  }
0xb: {  	[smem:$0x3FB0] =	sst s3  }
0xc: {  	[smem:$0x3FB1] =	sst s4  }
0xd: {  	[smem:$0x3FB2] =	sst s5  }
0xe: {  	[smem:$0x3FB3] =	sst s6  }
0xf: {  	[smem:$0x3FB4] =	sst s7  }
0x10: {  	[smem:$0x3FB5] =	sst s8  }
0x11: {  	[smem:$0x3FB6] =	sst s9;
	s0 =	simm.s32 @!p0 $0x0  }
0x12: {  	s1 =	sld [smem:$0x3F9C];
	s0 =	simm.s32 @p0 $0x1  }
0x13: {  	[smem:$0x3FB7] =	sst s0;
	s0 =	simm.s32 @!p1 $0x0  }
0x14: {  	s2 =	sld [smem:$0x3F9B];
	s0 =	simm.s32 @p1 $0x1  }
0x15: {  	[smem:$0x3FB8] =	sst s0;
	s0 =	simm.s32 @!p2 $0x0  }
0x16: {  	s3 =	sld [smem:$0x3FDB];
	s0 =	simm.s32 @p2 $0x1  }
0x17: {  	s4 =	simm.s32 $0x1BF5;
	[smem:$0x3FBA] =	sst s0  }
0x18: {  	s0 =	sld [smem:$0x3F9D];
	_ =	swait.ge [sflag:s4], $0x0  }
0x19: {  	s7 =	sld [smem:$0x3F9E]  }
0x1a: {  	s8 =	sadd.s32 $0xFFFFE003, lr  }
0x1b: {  	s9 =	sadd.s32 $0xFFFFFEF7, lr;
	s5 =	simm.s32 $0xFFFFFFFF;
	p2 =	slt.u32 s8, $0xFFFFF086  }
0x1c: {  	p1 =	slt.u32 s9, $0xF7A;
	s5 =	simm.s32 @!p2 $0x0  }
0x1d: {  	s5 =	simm.s32 @p1 $0x1;
	p0 =	seq.s32 s7, s2  }
0x1e: {  	s7 =	smul.u32 @!p0 $0xF7A, s2;
	p2 =	seq.s32 @!p0 s5, $0x0  }
0x1f: {  	s9 =	smul.u32 $0xF7A, s1;
	s8 =	simm.s32 @!p0 $0x1BF5;
	p2 =	por !p2, p0  }
0x20: {  	[sflag:s8] =	ssyncset.s32 @!p0 $0xFFFFF086;
	s6 =	sadd.s32 @!p0 s3, s7;
	s7 =	simm.s32 @!p0 $0x108  }
0x21: {  	s3 =	sadd.s32 s3, s9;
	s6 =	sadd.s32 @!p0 $0x88, s6;
	s7 =	simm.s32 @p2 $0x1082  }
0x22: {  	[simem:s7], [sflag:s8] =	dma.local @!p0 [hbm:s6], $0xF7A  }
0x23: {  	s9 =	sor.u32 $0xD0000000, s2;
	s6 =	simm.s32 $0x108;
	_ =	swait.ge @!p0 [sflag:s8], $0x0  }
0x24: {  	s3 =	sadd.s32 $0x88, s3;
	s6 =	simm.s32 @!p1 $0x1082;
	[sflag:s4] =	ssyncset.s32 $0xFFFFF086  }
0x25: {  	[simem:s6], [sflag:s4] =	dma.local [hbm:s3], $0xF7A  }
0x26: {  	[smem:$0x3F9E] =	sst s1;
	(tag) =	ssettag s2;
	_ =	strace s9  }
0x27: {  	s1 =	sld [smem:$0x3FAE]  }
0x28: {  	s2 =	sld [smem:$0x3FAF]  }
0x29: {  	s4 =	sld [smem:$0x3FB1]  }
0x2a: {  	p0 =	seq.s32 s5, $0x0;
	s5 =	sld [smem:$0x3FB2]  }
0x2b: {  	s6 =	sld [smem:$0x3FB3]  }
0x2c: {  	s7 =	sld [smem:$0x3FB4]  }
0x2d: {  	s3 =	simm.s32 $0x108;
	s8 =	sld [smem:$0x3FB5]  }
0x2e: {  	s3 =	simm.s32 @!p0 $0x1082;
	s9 =	sld [smem:$0x3FB6]  }
0x2f: {  	lr =	sadd.s32 s0, s3;
	s0 =	sld [smem:$0x3FAD]  }
0x30: {  	s3 =	sld [smem:$0x3FB0]  }
0x31: {  	[smem:$0x3FB9] =	sst s10  }
0x32: {  	s10 =	sld [smem:$0x3FB7];
	_ =	sdelay $0x3  }
0x33: {  	p0 =	seq.s32 s10, $0x1;
	s10 =	sld [smem:$0x3FB9];
	_ =	sdelay $0x3  }
0x34: {  	[smem:$0x3FB9] =	sst s10  }
0x35: {  	s10 =	sld [smem:$0x3FB8];
	_ =	sdelay $0x3  }
0x36: {  	p1 =	seq.s32 s10, $0x1;
	s10 =	sld [smem:$0x3FB9];
	_ =	sdelay $0x3  }
0x37: {  	[smem:$0x3FB9] =	sst s10  }
0x38: {  	s10 =	sld [smem:$0x3FBA]  }
0x39: {  	_ = 	snop;
	(pc) =	sbr.ind lr, $3  }
0x3a: {  	_ = 	snop  }
0x3b: {  	_ = 	snop  }
0x3c: {  	p2 =	seq.s32 s10, $0x1;
	s10 =	sld [smem:$0x3FB9]  }
0x3d: {  	_ =	shalt  }
0x3e: {  	_ =	shalt  }
0x3f: {  	_ =	shalt  }
0x40: {  	_ =	shalt  }
0x41: {  	_ =	shalt  }
0x42: {  	_ =	shalt  }
0x43: {  	_ =	shalt  }
0x44: {  	_ =	shalt  }
0x45: {  	_ =	shalt  }
0x46: {  	_ =	shalt  }
0x47: {  	_ =	shalt  }
0x48: {  	_ =	shalt  }
0x49: {  	_ =	shalt  }
0x4a: {  	_ =	shalt  }
0x4b: {  	_ =	shalt  }
0x4c: {  	_ =	shalt  }
0x4d: {  	_ =	shalt  }
0x4e: {  	_ =	shalt  }
0x4f: {  	_ =	shalt  }
0x50: {  	_ =	shalt  }
0x51: {  	_ =	shalt  }
0x52: {  	_ =	shalt  }
0x53: {  	_ =	shalt  }
0x54: {  	_ =	shalt  }
0x55: {  	_ =	shalt  }
0x56: {  	_ =	shalt  }
0x57: {  	_ =	shalt  }
0x58: {  	_ =	shalt  }
0x59: {  	_ =	shalt  }
0x5a: {  	_ =	shalt  }
0x5b: {  	_ =	shalt  }
0x5c: {  	_ =	shalt  }
0x5d: {  	_ =	shalt  }
0x5e: {  	_ =	shalt  }
0x5f: {  	_ =	shalt  }
0x60: {  	_ =	shalt  }
0x61: {  	_ =	shalt  }
0x62: {  	_ =	shalt  }
0x63: {  	_ =	shalt  }
0x64: {  	_ =	shalt  }
0x65: {  	_ =	shalt  }
0x66: {  	_ =	shalt  }
0x67: {  	_ =	shalt  }
0x68: {  	_ =	shalt  }
0x69: {  	_ =	shalt  }
0x6a: {  	_ =	shalt  }
0x6b: {  	_ =	shalt  }
0x6c: {  	_ =	shalt  }
0x6d: {  	_ =	shalt  }
0x6e: {  	_ =	shalt  }
0x6f: {  	_ =	shalt  }
0x70: {  	_ =	shalt  }
0x71: {  	_ =	shalt  }
0x72: {  	_ =	shalt  }
0x73: {  	_ =	shalt  }
0x74: {  	_ =	shalt  }
0x75: {  	_ =	shalt  }
0x76: {  	_ =	shalt  }
0x77: {  	_ =	shalt  }
0x78: {  	_ =	shalt  }
0x79: {  	_ =	shalt  }
0x7a: {  	_ =	shalt  }
0x7b: {  	_ =	shalt  }
0x7c: {  	_ =	shalt  }
0x7d: {  	_ =	shalt  }
0x7e: {  	_ =	shalt  }
0x7f: {  	_ =	shalt  }
0x80: {  	_ =	shalt  }
0x81: {  	_ =	shalt  }
0x82: {  	_ =	shalt  }
0x83: {  	_ =	shalt  }
0x84: {  	_ =	shalt  }
0x85: {  	_ =	shalt  }
0x86: {  	_ =	shalt  }
0x87: {  	_ =	shalt  }
.Lfunc_end0:
.L_simem_size_0:
called_computation.1_lowered:
.L_overlay_start_0:
0x88: {  	s2 =	sld [smem:$0x3FD9]  }
0x89: {  	s3 =	sld [smem:$0x3FFE];
	_ =	sdelay $0x1  }
0x8a: {  	s1 =	srdreg.scid  }
0x8b: {  	s0 =	sand.u32 $0x1, s1  }
0x8c: {  	s16 =	sshll.u32 s0, $0xA;
	s2 =	sadd.s32 s3, s2  }
0x8d: {  	s2 =	sadd.s32 s2, s16  }
0x8e: {  	[smem:$0x3FC5] =	sst s2  }
0x8f: {  	_ = 	snop  }
0x90: {  	(tm) =	ssettm $0x1  }
0x91: {  	s17 =	sld [smem:$0x3FFB];
	_ =	sdelay $0x3  }
0x92: {  	_ =	strace s17  }
0x93: {  	s2 =	sld [smem:$0x3FFC];
	_ =	sdelay $0x3  }
0x94: {  	_ =	strace s2  }
0x95: {  	s2 =	sld [smem:$0x3FFD];
	_ =	sdelay $0x3  }
0x96: {  	_ =	strace s2  }
0x97: {  	_ =	strace $0x8FFFFFFF  }
0x98: {  	s18 =	sld [smem:$0x3FDB];
	_ =	sdelay $0x1  }
0x99: {  	s19 =	simm.s32 $_scs_section_size  }
0x9a: {  	s4 =	simm.s32 $_size__tile_overlayer_lowered;
	s5 =	simm.s32 $_tile_overlayer_lowered  }
0x9b: {  	s22 =	simm.s32 $0x1BFF;
	s21 =	sshll.u32 s5, $0x1;
	s2 =	sadd.s32 s19, s18  }
0x9c: {  	s6 =	simm.s32 $0x0;
	s20 =	sshll.u32 s4, $0x1;
	s4 =	sadd.s32 s21, s2  }
0x9d: {  	[timem:s6], [sflag:s22] =	dma.local [hbm:s4], s20  }
0x9e: {  	_ =	swait.ge [sflag:s22], s20  }
0x9f: {  	s3 =	ssub.s32 $0x0, s20;
	[sflag:s22] =	ssyncset.done $0x0  }
0xa0: {  	[sflag:s22] =	ssyncadd.s32 s3;
	_ =	sdelay $0x1  }
0xa1: {  	s23 =	simm.s32 $0x1B8B  }
0xa2: {  	_ =	swait.ge [sflag:s23], $0x1  }
0xa3: {  	[sflag:s23] =	ssyncset.done $0x0  }
0xa4: {  	s25 =	simm.s32 $0x1B8E;
	s24 =	sld [smem:$0x3FFE];
	[sflag:s23] =	ssyncadd.s32 $0xFFFFFFFF  }
0xa5: {  	s26 =	simm.s32 $execute0_lowered;
	[smem:$0x3FD2] =	sst s25  }
0xa6: {  	s4 =	sshll.u32 s26, $0x1;
	_ =	strace $0x80000046;
	[dreg:$0x1] =	wrdreg $0xFFFFFFFF  }
0xa7: {  	s28 =	simm.s32 $_size_execute0_lowered;
	s2 =	sadd.s32 s2, s4;
	[dreg:$0x0] =	wrdreg $0x0  }
0xa8: {  	s4 =	sshll.u32 s28, $0x1;
	[dreg:$0x2] =	wrdreg s2  }
0xa9: {  	[dreg:$0x3] =	wrdreg s4  }
0xaa: {  	[dreg:$0x4] =	wrdreg $0xC0  }
0xab: {  	_ =	task [dreg:s6], $0x5FFFF  }
0xac: {  	[dreg:$0x1] =	wrdreg $0xFFFFFFFF  }
0xad: {  	[dreg:$0x0] =	wrdreg $0x60  }
0xae: {  	[dreg:$0x2] =	wrdreg s24  }
0xaf: {  	[dreg:$0x3] =	wrdreg $0x9  }
0xb0: {  	_ =	task.clear_ibuf [dreg:s6], $0x4FFFF;
	_ =	strace $0x90000046  }
0xb1: {  	s29 =	simm.s32 $0x9;
	_ =	strace $0x80000048  }
0xb2: {  	_ =	swait.ge [sflag:s29], $0x1  }
0xb3: {  	[sflag:s29] =	ssyncadd.s32 $0xFFFFFFFF  }
0xb4: {  	_ =	strace $0x90000048  }
0xb5: {  	_ =	sfence  }
0xb6: {  	s30 =	sld [smem:$0x0];
	_ =	sdelay $0x2  }
0xb7: {  	s31 =	sshll.u32 s1, $0xD;
	s1 =	sshrl.u32 s1, $0x2  }
0xb8: {  	s3 =	sand.u32 $0x4000, s31;
	s1 =	sadd.s32 s1, s30  }
0xb9: {  	s0 =	sor.u32 s3, s0;
	s1 =	sshll.u32 s1, $0x11  }
0xba: {  	s0 =	sor.u32 s1, s0  }
0xbb: {  	s0 =	sadd.s32 $0x8F2B, s0  }
0xbc: {  	[sflag:s0] =	ssyncadd.remote.s32 $0x1  }
0xbd: {  	_ =	sfence.sel $0xFFFF  }
0xbe: {  	[dreg:$0x0] =	wrdreg $0xFFFFFFFF;
	(pc) =	sbr.abs _section_cstart, $3  }
0xbf: {  	[dreg:$0x1] =	wrdreg $0xFFFFFFFF  }
0xc0: {  	_ =	task.clear_ibuf [dreg:s6], $0x2FFFF;
	_ =	strace $0x9FFFFFFF  }
0xc1: {  	(tm) =	ssettm $0x7FFFFFFF  }
tec
execute0_lowered:
.L_overlay_start_1:
0x0: {  	(tag) =	ssettag $0x1  }
0x1: {  	s0 =	rddreg [dreg:$0x0];
	s2 =	simm.s32 $0x0  }
0x2: {  	s1 =	srdreg.scid;
	s3 =	stileid.u32;
	s17 =	simm.s32 $0x100  }
0x3: {  	s18 =	simm.s32 $0xC200;
	s19 =	simm.s32 $0x1;
	s28 =	simm.s32 $0x6  }
0x4: {  	s29 =	simm.s32 $0x14200;
	s30 =	simm.s32 $0x7;
	s31 =	simm.s32 $0x8  }
0x5: {  	[smem:$0x7FF] =	sst s2;
	s1 =	sand.u32 $0x1, s1;
	s4 =	sshll.u32 s3, $0x1  }
0x6: {  	s3 =	sadd.s32 $0x20200, s0;
	s5 =	sadd.s32 $0x5200, s0;
	s6 =	sadd.s32 $0x660200, s0  }
0x7: {  	_ =	strace $0x80000047;
	s7 =	ssub.s32 $0x2, s1;
	s1 =	sor.u32 s1, s4  }
0x8: {  	s4 =	sadd.s32 $0x13A00, s0;
	s8 =	sshrl.u32 s7, $0x1;
	s9 =	smul.u32 $0x3200, s1  }
0x9: {  	s0 =	simm.s32 $0x0;
	s10 =	smul.u32 $0x19000, s1;
	s21 =	ssub.s32 s7, s8  }
0xa: {  	s8 =	smul.u32 $0xC8000, s1;
	s22 =	sshrl.u32 s9, $0x3;
	s11 =	sor.u32 $0x100, s9  }
0xb: {  	s24 =	sadd.s32 s3, s10;
	s12 =	sadd.s32 $0x200, s9;
	s14 =	sadd.s32 $0x300, s9  }
0xc: {  	s15 =	smax.u32 s21, $0x1;
	s21 =	simm.s32 $0x2;
	s7 =	sadd.s32 s4, s22  }
.Ltmp0:
0xd: {  	s23 =	sshrl.u32 s11, $0x3;
	[dreg:$0x3] =	wrdreg s24;
	(pc) =	sbr.rel .LBB2_1-.Ltmp0, $4  }
0xe: {  	s26 =	sshll.u32 s11, $0x3;
	s13 =	sor.u32 $0x4000, s8;
	s22 =	simm.s32 $0x4200  }
0xf: {  	s24 =	simm.s32 $0x5;
	[dreg:$0x2] =	wrdreg s7;
	s25 =	sadd.s32 s4, s23  }
0x10: {  	s1 =	sadd.s32 s3, s26;
	s23 =	simm.s32 $0x3;
	[dreg:$0x4] =	wrdreg s25  }
0x11: {  	s26 =	simm.s32 $0x4;
	[dreg:$0x5] =	wrdreg s1;
	s25 =	simm.s32 $0x10200  }
.LBB2_8:
0x12: {  	s0 =	sadd.s32 $0x1, s0  }
0x13: {  	_ =	swait.ge [sflag:s30], $0x4000;
	p0 =	sne.s32 s0, s15  }
.Ltmp1:
0x14: {  	[sflag:s30] =	ssyncset.done $0x0;
	(pc) =	sbr.rel @!p0 .LBB2_9-.Ltmp1, $4  }
0x15: {  	[sflag:s30] =	ssyncadd.s32 $0xFFFFC000  }
0x16: {  	_ =	swait.ge [sflag:s31], $0x4000  }
0x17: {  	[sflag:s31] =	ssyncset.done $0x0  }
0x18: {  	[sflag:s31] =	ssyncadd.s32 $0xFFFFC000  }
.LBB2_1:
0x19: {  	s1 =	rddreg [dreg:$0x2]  }
0x1a: {  	[tilespmem:s2], [sflag:$0x1] =	stream.linear.gather [hbm4b:s1+s2], $0x100, $0x38;
	[tilespmem:$0x18200] =	vst v63  }
0x1b: {  	s10 =	rddreg [dreg:$0x3];
	s7 =	simm.s32 $0x8200  }
0x1c: {  	[tilespmem:s7], [sflag:$0x5] =	stream.linear.gather [hbm4b:s10+s2], $0x4000, $0x38;
	[tilespmem:$0x18200] =	vst v63  }
0x1d: {  	s11 =	rddreg [dreg:$0x4]  }
0x1e: {  	[tilespmem:s17], [sflag:$0x2] =	stream.linear.gather [hbm4b:s11+s2], $0x100, $0x38;
	[tilespmem:$0x18200] =	vst v63  }
0x1f: {  	s16 =	rddreg [dreg:$0x5]  }
0x20: {  	[tilespmem:s18], [sflag:$0x6] =	stream.linear.gather [hbm4b:s16+s2], $0x4000, $0x38;
	[tilespmem:$0x18200] =	vst v63  }
0x21: {  	_ =	swait.ge [sflag:s19], $0x100  }
0x22: {  	[sflag:s19] =	ssyncset.done $0x0  }
0x23: {  	s20 =	simm.s32 $0x200;
	s1 =	simm.s32 $0x0;
	[sflag:s19] =	ssyncadd.s32 $0xFFFFFF00  }
0x24: {  	[tilespmem:s20], [sflag:$0x3] =	stream.indirect.gather [hbm4b:s5+s17], $0x40, s2, s17, $0xb8;
	[tilespmem:$0x18200] =	vst v63  }
.LBB2_2:
0x25: {  	_ =	swait.ge [sflag:s21], $0x100  }
0x26: {  	[sflag:s21] =	ssyncset.done $0x0  }
0x27: {  	[sflag:s21] =	ssyncadd.s32 $0xFFFFFF00  }
0x28: {  	[tilespmem:s22], [sflag:$0x4] =	stream.indirect.gather [hbm4b:s5+s17], $0x40, s17, s17, $0xb8;
	[tilespmem:$0x18200] =	vst v63  }
0x29: {  	_ =	swait.ge [sflag:s23], $0x4000  }
0x2a: {  	[sflag:s23] =	ssyncset.done $0x0  }
0x2b: {  	[sflag:s23] =	ssyncadd.s32 $0xFFFFC000  }
0x2c: {  	_ =	swait.ge [sflag:s24], $0x4000  }
0x2d: {  	p0 =	seq.s32 s1, $0x0;
	[sflag:s24] =	ssyncset.done $0x0  }
0x2e: {  	s7 =	simm.s32 @!p0 $0x7;
	[sflag:s24] =	ssyncadd.s32 $0xFFFFC000  }
0x2f: {  	_ =	swait.ge @!p0 [sflag:s7], $0x4000  }
0x30: {  	[sflag:s7] =	ssyncset.done @!p0 $0x0  }
0x31: {  	s9 =	simm.s32 $0x8300;
	[sflag:s7] =	ssyncadd.s32 @!p0 $0xFFFFC000  }
0x32: {  	s20 =	simm.s32 $0x300;
	v0 =	vld [tilespmem:s9+$0xC0]  }
0x33: {  	v1 =	vld [tilespmem:s20+$0xC0]  }
0x34: {  	v2 =	vld [tilespmem:s20+$0xFFFFFF00]  }
0x35: {  	v3 =	vld [tilespmem:s9+$0xFFFFFF40]  }
0x36: {  	v4 =	vld [tilespmem:s20+$0xFFFFFF40]  }
0x37: {  	v5 =	vld [tilespmem:s9+$0xFFFFFF80]  }
0x38: {  	v6 =	vld [tilespmem:s20+$0xFFFFFF80]  }
0x39: {  	v7 =	vld [tilespmem:s20+$0xFFFFFFC0]  }
0x3a: {  	v9 =	vld [tilespmem:s9+$0x0]  }
0x3b: {  	v10 =	vld [tilespmem:s20+$0x0]  }
0x3c: {  	v11 =	vld [tilespmem:s9+$0x40]  }
0x3d: {  	v12 =	vld [tilespmem:s20+$0x40];
	v0 =	vadd.f32 v1, v0  }
0x3e: {  	s7 =	simm.s32 $0x10300;
	v1 =	vld [tilespmem:s9+$0xFFFFFFC0]  }
0x3f: {  	v3 =	vadd.f32 v4, v3;
	v4 =	vld [tilespmem:s9+$0xFFFFFF00];
	[tilespmem:s7+$0xC0] =	vst v0  }
0x40: {  	v0 =	vld [tilespmem:s9+$0xD0]  }
0x41: {  	v8 =	vld [tilespmem:s20+$0xD0]  }
0x42: {  	v13 =	vld [tilespmem:s9+$0x80];
	[tilespmem:s7+$0xFFFFFF40] =	vst v3;
	v3 =	vadd.f32 v6, v5  }
0x43: {  	v6 =	vld [tilespmem:s9+$0xFFFFFF50]  }
0x44: {  	[tilespmem:s7+$0xFFFFFF80] =	vst v3;
	v3 =	vld [tilespmem:s20+$0xFFFFFF50];
	v1 =	vadd.f32 v7, v1  }
0x45: {  	v2 =	vadd.f32 v2, v4;
	v4 =	vld [tilespmem:s9+$0xFFFFFF90]  }
0x46: {  	[tilespmem:s7+$0xFFFFFFC0] =	vst v1;
	v1 =	vld [tilespmem:s20+$0xFFFFFF90];
	v0 =	vadd.f32 v8, v0  }
0x47: {  	[tilespmem:s7+$0xFFFFFF00] =	vst v2;
	v2 =	vld [tilespmem:s9+$0xFFFFFFD0]  }
0x48: {  	v55 =	vld [tilespmem:s20+$0xFFFFFFD0];
	[tilespmem:s7+$0xD0] =	vst v0  }
0x49: {  	v3 =	vadd.f32 v3, v6;
	v0 =	vld [tilespmem:s9+$0xE0]  }
0x4a: {  	v5 =	vld [tilespmem:s20+$0xE0]  }
0x4b: {  	v8 =	vld [tilespmem:s20+$0x80];
	[tilespmem:s7+$0xFFFFFF50] =	vst v3;
	v1 =	vadd.f32 v1, v4  }
0x4c: {  	v4 =	vld [tilespmem:s9+$0xFFFFFF60]  }
0x4d: {  	[tilespmem:s7+$0xFFFFFF90] =	vst v1;
	v1 =	vadd.f32 v55, v2;
	v2 =	vld [tilespmem:s20+$0xFFFFFF60]  }
0x4e: {  	v7 =	vld [tilespmem:s20+$0xFFFFFF10]  }
0x4f: {  	v58 =	vld [tilespmem:s9+$0xFFFFFFA0];
	v0 =	vadd.f32 v5, v0  }
0x50: {  	v5 =	vld [tilespmem:s9+$0xFFFFFF10];
	[tilespmem:s7+$0xFFFFFFD0] =	vst v1  }
0x51: {  	v59 =	vld [tilespmem:s9+$0xFFFFFFE0];
	[tilespmem:s7+$0xE0] =	vst v0;
	v0 =	vadd.f32 v10, v9  }
0x52: {  	v53 =	vld [tilespmem:s9+$0xF0];
	v2 =	vadd.f32 v2, v4  }
0x53: {  	v54 =	vld [tilespmem:s20+$0xF0];
	[tilespmem:s7+$0x0] =	vst v0;
	v0 =	vadd.f32 v12, v11  }
0x54: {  	v56 =	vld [tilespmem:s9+$0x10];
	[tilespmem:s7+$0xFFFFFF60] =	vst v2  }
0x55: {  	[tilespmem:s7+$0x40] =	vst v0;
	v0 =	vadd.f32 v8, v13;
	v8 =	vld [tilespmem:s20+$0x10]  }
0x56: {  	v61 =	vld [tilespmem:s9+$0xFFFFFF70]  }
0x57: {  	v57 =	vld [tilespmem:s9+$0x50]  }
0x58: {  	[tilespmem:s7+$0x80] =	vst v0;
	v0 =	vadd.f32 v7, v5;
	v5 =	vld [tilespmem:s20+$0x50]  }
0x59: {  	v7 =	vld [tilespmem:s9+$0x90]  }
0x5a: {  	[tilespmem:s7+$0xFFFFFF10] =	vst v0;
	v0 =	vld [tilespmem:s20+$0x90]  }
0x5b: {  	v6 =	vld [tilespmem:s9+$0xFFFFFF20]  }
0x5c: {  	v3 =	vld [tilespmem:s20+$0xFFFFFF20];
	v1 =	vadd.f32 v8, v56  }
0x5d: {  	v8 =	vld [tilespmem:s20+$0xFFFFFFA0]  }
0x5e: {  	[tilespmem:s7+$0x10] =	vst v1;
	v1 =	vadd.f32 v5, v57;
	v5 =	vld [tilespmem:s20+$0xFFFFFFE0]  }
0x5f: {  	v60 =	vld [tilespmem:s9+$0x20]  }
0x60: {  	[tilespmem:s7+$0x50] =	vst v1;
	v0 =	vadd.f32 v0, v7;
	v1 =	vld [tilespmem:s20+$0x20]  }
0x61: {  	v7 =	vld [tilespmem:s9+$0x60]  }
0x62: {  	v3 =	vadd.f32 v3, v6;
	[tilespmem:s7+$0x90] =	vst v0;
	v0 =	vld [tilespmem:s20+$0x60]  }
0x63: {  	v2 =	vadd.f32 v8, v58;
	v6 =	vld [tilespmem:s9+$0xA0]  }
0x64: {  	[tilespmem:s7+$0xFFFFFF20] =	vst v3;
	v3 =	vld [tilespmem:s20+$0xA0]  }
0x65: {  	[tilespmem:s7+$0xFFFFFFA0] =	vst v2;
	v2 =	vadd.f32 v5, v59;
	v5 =	vld [tilespmem:s20+$0xFFFFFF70]  }
0x66: {  	v4 =	vld [tilespmem:s9+$0xFFFFFF30]  }
0x67: {  	v8 =	vld [tilespmem:s20+$0xFFFFFF30]  }
0x68: {  	v62 =	vld [tilespmem:s9+$0xFFFFFFB0]  }
0x69: {  	[tilespmem:s7+$0xFFFFFFE0] =	vst v2;
	v1 =	vadd.f32 v1, v60;
	v2 =	vld [tilespmem:s20+$0xFFFFFFB0]  }
0x6a: {  	v9 =	vadd.f32 v54, v53;
	v63 =	vld [tilespmem:s9+$0xFFFFFFF0]  }
0x6b: {  	[tilespmem:s7+$0x20] =	vst v1;
	v1 =	vadd.f32 v0, v7;
	v7 =	vld [tilespmem:s20+$0xFFFFFFF0]  }
0x6c: {  	[tilespmem:s7+$0xF0] =	vst v9;
	v6 =	vadd.f32 v3, v6;
	v0 =	vld [tilespmem:s9+$0x30]  }
0x6d: {  	v3 =	vld [tilespmem:s20+$0x30];
	[tilespmem:s7+$0x60] =	vst v1;
	v4 =	vadd.f32 v8, v4  }
0x6e: {  	[tilespmem:s7+$0xA0] =	vst v6;
	v1 =	vld [tilespmem:s9+$0x70];
	v6 =	vadd.f32 v2, v62  }
0x6f: {  	v5 =	vadd.f32 v5, v61;
	[tilespmem:s7+$0xFFFFFF30] =	vst v4;
	v4 =	vld [tilespmem:s20+$0x70]  }
0x70: {  	v2 =	vld [tilespmem:s9+$0xB0];
	[tilespmem:s7+$0xFFFFFFB0] =	vst v6;
	v6 =	vadd.f32 v7, v63  }
0x71: {  	s16 =	sshll.u32 s1, $0x9;
	s10 =	simm.s32 $0x8500;
	[tilespmem:s7+$0xFFFFFF70] =	vst v5;
	s9 =	simm.s32 $0x0;
	v5 =	vld [tilespmem:s20+$0xB0]  }
.LBB2_3:
0x72: {  	v7 =	vld [tilespmem:s10+$0xC0];
	[tilespmem:s7+$0xFFFFFFF0] =	vst v6;
	v0 =	vadd.f32 v3, v0;
	s20 =	sadd.s32 $0x200, s20  }
0x73: {  	v3 =	vld [tilespmem:s20+$0xC0]  }
0x74: {  	v6 =	vld [tilespmem:s20+$0xFFFFFF00];
	[tilespmem:s7+$0x30] =	vst v0;
	v0 =	vadd.f32 v4, v1  }
0x75: {  	v1 =	vld [tilespmem:s10+$0xFFFFFF40]  }
0x76: {  	s9 =	sadd.s32 $0x8, s9;
	v4 =	vld [tilespmem:s20+$0xFFFFFF40];
	[tilespmem:s7+$0x70] =	vst v0;
	v0 =	vadd.f32 v5, v2  }
0x77: {  	p1 =	slt.u32 s9, $0xF8;
	v2 =	vld [tilespmem:s10+$0xFFFFFF80]  }
0x78: {  	v5 =	vld [tilespmem:s20+$0xFFFFFF80];
	v3 =	vadd.f32 v3, v7;
	[tilespmem:s7+$0xB0] =	vst v0  }
0x79: {  	s7 =	sadd.s32 $0x200, s7;
	v0 =	vld [tilespmem:s10+$0xFFFFFFC0]  }
0x7a: {  	v7 =	vld [tilespmem:s20+$0xFFFFFFC0];
	[tilespmem:s7+$0xC0] =	vst v3  }
0x7b: {  	v1 =	vadd.f32 v4, v1;
	v3 =	vld [tilespmem:s10+$0xD0]  }
0x7c: {  	v4 =	vld [tilespmem:s20+$0xD0]  }
0x7d: {  	[tilespmem:s7+$0xFFFFFF40] =	vst v1;
	v1 =	vadd.f32 v5, v2;
	v2 =	vld [tilespmem:s10+$0x0]  }
0x7e: {  	v5 =	vld [tilespmem:s20+$0x0]  }
0x7f: {  	[tilespmem:s7+$0xFFFFFF80] =	vst v1;
	v0 =	vadd.f32 v7, v0;
	v1 =	vld [tilespmem:s10+$0x40]  }
0x80: {  	v7 =	vld [tilespmem:s20+$0x40]  }
0x81: {  	[tilespmem:s7+$0xFFFFFFC0] =	vst v0;
	v0 =	vld [tilespmem:s10+$0x80];
	v3 =	vadd.f32 v4, v3  }
0x82: {  	v4 =	vld [tilespmem:s20+$0x80]  }
0x83: {  	v8 =	vld [tilespmem:s10+$0xFFFFFF00];
	v2 =	vadd.f32 v5, v2;
	[tilespmem:s7+$0xD0] =	vst v3  }
0x84: {  	v3 =	vld [tilespmem:s10+$0xE0]  }
0x85: {  	[tilespmem:s7+$0x0] =	vst v2;
	v1 =	vadd.f32 v7, v1;
	v2 =	vld [tilespmem:s20+$0xE0]  }
0x86: {  	v5 =	vld [tilespmem:s10+$0xFFFFFF50]  }
0x87: {  	v7 =	vld [tilespmem:s20+$0xFFFFFF50];
	[tilespmem:s7+$0x40] =	vst v1;
	v0 =	vadd.f32 v4, v0  }
0x88: {  	v1 =	vadd.f32 v6, v8;
	v4 =	vld [tilespmem:s10+$0xFFFFFF90]  }
0x89: {  	v6 =	vld [tilespmem:s20+$0xFFFFFF90];
	[tilespmem:s7+$0x80] =	vst v0  }
0x8a: {  	[tilespmem:s7+$0xFFFFFF00] =	vst v1;
	v0 =	vld [tilespmem:s10+$0xFFFFFFD0];
	v1 =	vadd.f32 v2, v3  }
0x8b: {  	v2 =	vld [tilespmem:s10+$0xFFFFFF10]  }
0x8c: {  	v3 =	vld [tilespmem:s20+$0xFFFFFF10];
	v5 =	vadd.f32 v7, v5;
	[tilespmem:s7+$0xE0] =	vst v1  }
0x8d: {  	v1 =	vld [tilespmem:s10+$0xF0]  }
0x8e: {  	[tilespmem:s7+$0xFFFFFF50] =	vst v5;
	v4 =	vadd.f32 v6, v4;
	v5 =	vld [tilespmem:s20+$0xF0]  }
0x8f: {  	v6 =	vld [tilespmem:s20+$0xFFFFFFD0]  }
0x90: {  	[tilespmem:s7+$0xFFFFFF90] =	vst v4;
	v4 =	vld [tilespmem:s10+$0x10]  }
0x91: {  	v2 =	vadd.f32 v3, v2;
	v3 =	vld [tilespmem:s20+$0x10]  }
0x92: {  	v7 =	vld [tilespmem:s10+$0x50]  }
0x93: {  	[tilespmem:s7+$0xFFFFFF10] =	vst v2;
	v2 =	vld [tilespmem:s20+$0x50];
	v1 =	vadd.f32 v5, v1  }
0x94: {  	v0 =	vadd.f32 v6, v0;
	v5 =	vld [tilespmem:s10+$0x90]  }
0x95: {  	v6 =	vld [tilespmem:s20+$0x90];
	[tilespmem:s7+$0xF0] =	vst v1  }
0x96: {  	v1 =	vld [tilespmem:s10+$0xFFFFFF20];
	[tilespmem:s7+$0xFFFFFFD0] =	vst v0;
	v0 =	vadd.f32 v3, v4  }
0x97: {  	v3 =	vld [tilespmem:s20+$0xFFFFFF20]  }
0x98: {  	v4 =	vld [tilespmem:s10+$0xFFFFFF60];
	[tilespmem:s7+$0x10] =	vst v0;
	v0 =	vadd.f32 v2, v7  }
0x99: {  	v2 =	vld [tilespmem:s20+$0xFFFFFF60]  }
0x9a: {  	v7 =	vld [tilespmem:s10+$0xFFFFFFA0];
	[tilespmem:s7+$0x50] =	vst v0;
	v0 =	vadd.f32 v6, v5  }
0x9b: {  	v5 =	vld [tilespmem:s20+$0xFFFFFFA0]  }
0x9c: {  	v1 =	vadd.f32 v3, v1;
	v3 =	vld [tilespmem:s10+$0xFFFFFFE0];
	[tilespmem:s7+$0x90] =	vst v0  }
0x9d: {  	v0 =	vld [tilespmem:s20+$0xFFFFFFE0]  }
0x9e: {  	[tilespmem:s7+$0xFFFFFF20] =	vst v1;
	v1 =	vadd.f32 v2, v4;
	v2 =	vld [tilespmem:s10+$0x20]  }
0x9f: {  	v4 =	vld [tilespmem:s20+$0x20]  }
0xa0: {  	[tilespmem:s7+$0xFFFFFF60] =	vst v1;
	v1 =	vadd.f32 v5, v7;
	v5 =	vld [tilespmem:s10+$0x60]  }
0xa1: {  	v6 =	vld [tilespmem:s20+$0x60]  }
0xa2: {  	[tilespmem:s7+$0xFFFFFFA0] =	vst v1;
	v0 =	vadd.f32 v0, v3;
	v1 =	vld [tilespmem:s10+$0xA0]  }
0xa3: {  	v3 =	vld [tilespmem:s20+$0xA0]  }
0xa4: {  	v7 =	vld [tilespmem:s10+$0xFFFFFF30];
	[tilespmem:s7+$0xFFFFFFE0] =	vst v0;
	v0 =	vadd.f32 v4, v2  }
0xa5: {  	v2 =	vld [tilespmem:s20+$0xFFFFFF30]  }
0xa6: {  	v4 =	vld [tilespmem:s10+$0xFFFFFF70];
	[tilespmem:s7+$0x20] =	vst v0;
	v0 =	vadd.f32 v6, v5  }
0xa7: {  	v5 =	vld [tilespmem:s20+$0xFFFFFF70]  }
0xa8: {  	v6 =	vld [tilespmem:s10+$0xFFFFFFB0];
	[tilespmem:s7+$0x60] =	vst v0;
	v0 =	vadd.f32 v3, v1  }
0xa9: {  	v1 =	vld [tilespmem:s20+$0xFFFFFFB0]  }
0xaa: {  	v2 =	vadd.f32 v2, v7;
	v7 =	vld [tilespmem:s10+$0xFFFFFFF0];
	[tilespmem:s7+$0xA0] =	vst v0  }
0xab: {  	v8 =	vld [tilespmem:s20+$0xFFFFFFF0]  }
0xac: {  	[tilespmem:s7+$0xFFFFFF30] =	vst v2;
	v2 =	vadd.f32 v5, v4;
	v0 =	vld [tilespmem:s10+$0x30]  }
.Ltmp2:
0xad: {  	v3 =	vld [tilespmem:s20+$0x30];
	(pc) =	sbr.rel @p1 .LBB2_3-.Ltmp2, $4  }
0xae: {  	[tilespmem:s7+$0xFFFFFF70] =	vst v2;
	v2 =	vadd.f32 v1, v6;
	v1 =	vld [tilespmem:s10+$0x70]  }
0xaf: {  	v4 =	vld [tilespmem:s20+$0x70]  }
0xb0: {  	[tilespmem:s7+$0xFFFFFFB0] =	vst v2;
	v6 =	vadd.f32 v8, v7;
	v2 =	vld [tilespmem:s10+$0xB0]  }
0xb1: {  	s10 =	sadd.s32 $0x200, s10;
	v5 =	vld [tilespmem:s20+$0xB0]  }
0xb2: {  	_ =	sdelay $0x1  }
0xb3: {  	v0 =	vadd.f32 v3, v0  }
0xb4: {  	[tilespmem:s7+$0xFFFFFFF0] =	vst v6;
	s20 =	sshll.u32 s1, $0xF;
	v1 =	vadd.f32 v4, v1  }
0xb5: {  	s9 =	sadd.s32 s8, s20;
	[tilespmem:s7+$0x30] =	vst v0;
	v0 =	vadd.f32 v5, v2  }
0xb6: {  	p1 =	seq.s32 s1, $0x18;
	s9 =	sshrl.u32 s9, $0x3;
	[tilespmem:s7+$0x70] =	vst v1  }
0xb7: {  	s10 =	sadd.s32 s6, s9;
	[tilespmem:s7+$0xB0] =	vst v0;
	s7 =	sadd.s32 @!p1 s16, s12  }
0xb8: {  	[hbm4b:s10+s2] =	stream.linear.scatter [tilespmem:s25], [sflag:$0x7], $0x4000, $0x38;
	[tilespmem:$0x18200] =	vst v63  }
0xb9: {  	s9 =	sshrl.u32 @!p1 s7, $0x3;
	s7 =	sshll.u32 @!p1 s7, $0x3  }
0xba: {  	s10 =	simm.s32 @!p1 $0x0;
	s9 =	sadd.s32 @!p1 s4, s9;
	s7 =	sand.u32 @!p1 $0x1FFFF000, s7  }
0xbb: {  	[tilespmem:s10], [sflag:$0x1] =	stream.linear.gather @!p1 [hbm4b:s9+s10], $0x100, $0x38;
	[tilespmem:$0x18200] =	vst v63  }
0xbc: {  	s7 =	sadd.s32 @!p1 s3, s7;
	s9 =	simm.s32 @!p1 $0x8200  }
0xbd: {  	[tilespmem:s9], [sflag:$0x5] =	stream.linear.gather @!p1 [hbm4b:s7+s10], $0x4000, $0x38;
	[tilespmem:$0x18200] =	vst v63  }
0xbe: {  	s7 =	simm.s32 @!p1 $0x1  }
0xbf: {  	_ =	swait.ge @!p1 [sflag:s7], $0x100  }
0xc0: {  	[sflag:s7] =	ssyncset.done @!p1 $0x0  }
0xc1: {  	s9 =	simm.s32 @!p1 $0x200;
	[sflag:s7] =	ssyncadd.s32 @!p1 $0xFFFFFF00;
	s7 =	simm.s32 @!p1 $0x100  }
0xc2: {  	[tilespmem:s9], [sflag:$0x3] =	stream.indirect.gather @!p1 [hbm4b:s5+s7], $0x40, s10, s7, $0xb8;
	[tilespmem:$0x18200] =	vst v63  }
0xc3: {  	_ =	swait.ge [sflag:s26], $0x4000  }
0xc4: {  	[sflag:s26] =	ssyncset.done $0x0  }
0xc5: {  	[sflag:s26] =	ssyncadd.s32 $0xFFFFC000  }
0xc6: {  	_ =	swait.ge [sflag:s28], $0x4000  }
0xc7: {  	[sflag:s28] =	ssyncset.done $0x0  }
0xc8: {  	s7 =	simm.s32 @!p0 $0x8;
	[sflag:s28] =	ssyncadd.s32 $0xFFFFC000  }
0xc9: {  	_ =	swait.ge @!p0 [sflag:s7], $0x4000  }
0xca: {  	[sflag:s7] =	ssyncset.done @!p0 $0x0  }
0xcb: {  	s11 =	simm.s32 $0xC300;
	[sflag:s7] =	ssyncadd.s32 @!p0 $0xFFFFC000  }
0xcc: {  	s9 =	simm.s32 $0x4300;
	v0 =	vld [tilespmem:s11+$0xC0]  }
0xcd: {  	v1 =	vld [tilespmem:s9+$0xC0]  }
0xce: {  	v2 =	vld [tilespmem:s9+$0xFFFFFF00]  }
0xcf: {  	v3 =	vld [tilespmem:s11+$0xFFFFFF40]  }
0xd0: {  	v4 =	vld [tilespmem:s9+$0xFFFFFF40]  }
0xd1: {  	v5 =	vld [tilespmem:s11+$0xFFFFFF80]  }
0xd2: {  	v6 =	vld [tilespmem:s9+$0xFFFFFF80]  }
0xd3: {  	v7 =	vld [tilespmem:s9+$0xFFFFFFC0]  }
0xd4: {  	v9 =	vld [tilespmem:s11+$0x0]  }
0xd5: {  	v10 =	vld [tilespmem:s9+$0x0]  }
0xd6: {  	v11 =	vld [tilespmem:s11+$0x40]  }
0xd7: {  	v12 =	vld [tilespmem:s9+$0x40];
	v0 =	vadd.f32 v1, v0  }
0xd8: {  	s7 =	simm.s32 $0x14300;
	v1 =	vld [tilespmem:s11+$0xFFFFFFC0]  }
0xd9: {  	v3 =	vadd.f32 v4, v3;
	v4 =	vld [tilespmem:s11+$0xFFFFFF00];
	[tilespmem:s7+$0xC0] =	vst v0  }
0xda: {  	v0 =	vld [tilespmem:s11+$0xD0]  }
0xdb: {  	v8 =	vld [tilespmem:s9+$0xD0]  }
0xdc: {  	v13 =	vld [tilespmem:s11+$0x80];
	[tilespmem:s7+$0xFFFFFF40] =	vst v3;
	v3 =	vadd.f32 v6, v5  }
0xdd: {  	v6 =	vld [tilespmem:s11+$0xFFFFFF50]  }
0xde: {  	[tilespmem:s7+$0xFFFFFF80] =	vst v3;
	v3 =	vld [tilespmem:s9+$0xFFFFFF50];
	v1 =	vadd.f32 v7, v1  }
0xdf: {  	v2 =	vadd.f32 v2, v4;
	v4 =	vld [tilespmem:s11+$0xFFFFFF90]  }
0xe0: {  	[tilespmem:s7+$0xFFFFFFC0] =	vst v1;
	v1 =	vld [tilespmem:s9+$0xFFFFFF90];
	v0 =	vadd.f32 v8, v0  }
0xe1: {  	[tilespmem:s7+$0xFFFFFF00] =	vst v2;
	v2 =	vld [tilespmem:s11+$0xFFFFFFD0]  }
0xe2: {  	v54 =	vld [tilespmem:s9+$0xFFFFFFD0];
	[tilespmem:s7+$0xD0] =	vst v0  }
0xe3: {  	v3 =	vadd.f32 v3, v6;
	v0 =	vld [tilespmem:s11+$0xE0]  }
0xe4: {  	v5 =	vld [tilespmem:s9+$0xE0]  }
0xe5: {  	v8 =	vld [tilespmem:s9+$0x80];
	[tilespmem:s7+$0xFFFFFF50] =	vst v3;
	v1 =	vadd.f32 v1, v4  }
0xe6: {  	v4 =	vld [tilespmem:s11+$0xFFFFFF60]  }
0xe7: {  	[tilespmem:s7+$0xFFFFFF90] =	vst v1;
	v1 =	vadd.f32 v54, v2;
	v2 =	vld [tilespmem:s9+$0xFFFFFF60]  }
0xe8: {  	v7 =	vld [tilespmem:s9+$0xFFFFFF10]  }
0xe9: {  	v57 =	vld [tilespmem:s11+$0xFFFFFFA0];
	v0 =	vadd.f32 v5, v0  }
0xea: {  	v5 =	vld [tilespmem:s11+$0xFFFFFF10];
	[tilespmem:s7+$0xFFFFFFD0] =	vst v1  }
0xeb: {  	v58 =	vld [tilespmem:s11+$0xFFFFFFE0];
	[tilespmem:s7+$0xE0] =	vst v0;
	v0 =	vadd.f32 v10, v9  }
0xec: {  	v52 =	vld [tilespmem:s11+$0xF0];
	v2 =	vadd.f32 v2, v4  }
0xed: {  	v53 =	vld [tilespmem:s9+$0xF0];
	[tilespmem:s7+$0x0] =	vst v0;
	v0 =	vadd.f32 v12, v11  }
0xee: {  	v55 =	vld [tilespmem:s11+$0x10];
	[tilespmem:s7+$0xFFFFFF60] =	vst v2  }
0xef: {  	[tilespmem:s7+$0x40] =	vst v0;
	v0 =	vadd.f32 v8, v13;
	v8 =	vld [tilespmem:s9+$0x10]  }
0xf0: {  	v60 =	vld [tilespmem:s11+$0xFFFFFF70]  }
0xf1: {  	v56 =	vld [tilespmem:s11+$0x50]  }
0xf2: {  	[tilespmem:s7+$0x80] =	vst v0;
	v0 =	vadd.f32 v7, v5;
	v5 =	vld [tilespmem:s9+$0x50]  }
0xf3: {  	v7 =	vld [tilespmem:s11+$0x90]  }
0xf4: {  	[tilespmem:s7+$0xFFFFFF10] =	vst v0;
	v0 =	vld [tilespmem:s9+$0x90]  }
0xf5: {  	v6 =	vld [tilespmem:s11+$0xFFFFFF20]  }
0xf6: {  	v3 =	vld [tilespmem:s9+$0xFFFFFF20];
	v1 =	vadd.f32 v8, v55  }
0xf7: {  	v8 =	vld [tilespmem:s9+$0xFFFFFFA0]  }
0xf8: {  	[tilespmem:s7+$0x10] =	vst v1;
	v1 =	vadd.f32 v5, v56;
	v5 =	vld [tilespmem:s9+$0xFFFFFFE0]  }
0xf9: {  	v59 =	vld [tilespmem:s11+$0x20]  }
0xfa: {  	[tilespmem:s7+$0x50] =	vst v1;
	v0 =	vadd.f32 v0, v7;
	v1 =	vld [tilespmem:s9+$0x20]  }
0xfb: {  	v7 =	vld [tilespmem:s11+$0x60]  }
0xfc: {  	v3 =	vadd.f32 v3, v6;
	[tilespmem:s7+$0x90] =	vst v0;
	v0 =	vld [tilespmem:s9+$0x60]  }
0xfd: {  	v2 =	vadd.f32 v8, v57;
	v6 =	vld [tilespmem:s11+$0xA0]  }
0xfe: {  	[tilespmem:s7+$0xFFFFFF20] =	vst v3;
	v3 =	vld [tilespmem:s9+$0xA0]  }
0xff: {  	[tilespmem:s7+$0xFFFFFFA0] =	vst v2;
	v2 =	vadd.f32 v5, v58;
	v5 =	vld [tilespmem:s9+$0xFFFFFF70]  }
0x100: {  	v4 =	vld [tilespmem:s11+$0xFFFFFF30]  }
0x101: {  	v8 =	vld [tilespmem:s9+$0xFFFFFF30]  }
0x102: {  	v61 =	vld [tilespmem:s11+$0xFFFFFFB0]  }
0x103: {  	v62 =	vld [tilespmem:s9+$0xFFFFFFB0];
	[tilespmem:s7+$0xFFFFFFE0] =	vst v2;
	v1 =	vadd.f32 v1, v59  }
0x104: {  	v2 =	vadd.f32 v53, v52;
	v63 =	vld [tilespmem:s11+$0xFFFFFFF0]  }
0x105: {  	[tilespmem:s7+$0x20] =	vst v1;
	v1 =	vadd.f32 v0, v7;
	v7 =	vld [tilespmem:s9+$0xFFFFFFF0]  }
0x106: {  	[tilespmem:s7+$0xF0] =	vst v2;
	v3 =	vadd.f32 v3, v6;
	v0 =	vld [tilespmem:s11+$0x30]  }
0x107: {  	v2 =	vld [tilespmem:s9+$0x30];
	[tilespmem:s7+$0x60] =	vst v1;
	v4 =	vadd.f32 v8, v4  }
0x108: {  	[tilespmem:s7+$0xA0] =	vst v3;
	v3 =	vadd.f32 v5, v60;
	v1 =	vld [tilespmem:s11+$0x70]  }
0x109: {  	v5 =	vadd.f32 v62, v61;
	[tilespmem:s7+$0xFFFFFF30] =	vst v4;
	v4 =	vld [tilespmem:s9+$0x70]  }
0x10a: {  	[tilespmem:s7+$0xFFFFFF70] =	vst v3;
	v3 =	vld [tilespmem:s11+$0xB0];
	v6 =	vadd.f32 v7, v63  }
0x10b: {  	s10 =	simm.s32 $0x0;
	[tilespmem:s7+$0xFFFFFFB0] =	vst v5;
	v5 =	vld [tilespmem:s9+$0xB0];
	s11 =	simm.s32 $0xC500  }
.LBB2_5:
0x10c: {  	v7 =	vld [tilespmem:s11+$0xC0];
	[tilespmem:s7+$0xFFFFFFF0] =	vst v6;
	v0 =	vadd.f32 v2, v0;
	s9 =	sadd.s32 $0x200, s9  }
0x10d: {  	v2 =	vld [tilespmem:s9+$0xC0]  }
0x10e: {  	v6 =	vld [tilespmem:s9+$0xFFFFFF00];
	[tilespmem:s7+$0x30] =	vst v0;
	v0 =	vadd.f32 v4, v1  }
0x10f: {  	v1 =	vld [tilespmem:s11+$0xFFFFFF40]  }
0x110: {  	s10 =	sadd.s32 $0x8, s10;
	v4 =	vld [tilespmem:s9+$0xFFFFFF40];
	[tilespmem:s7+$0x70] =	vst v0;
	v0 =	vadd.f32 v5, v3  }
0x111: {  	p0 =	slt.u32 s10, $0xF8;
	v3 =	vld [tilespmem:s11+$0xFFFFFF80]  }
0x112: {  	v5 =	vld [tilespmem:s9+$0xFFFFFF80];
	v2 =	vadd.f32 v2, v7;
	[tilespmem:s7+$0xB0] =	vst v0  }
0x113: {  	s7 =	sadd.s32 $0x200, s7;
	v0 =	vld [tilespmem:s11+$0xFFFFFFC0]  }
0x114: {  	v7 =	vld [tilespmem:s9+$0xFFFFFFC0];
	[tilespmem:s7+$0xC0] =	vst v2  }
0x115: {  	v1 =	vadd.f32 v4, v1;
	v2 =	vld [tilespmem:s11+$0xD0]  }
0x116: {  	v4 =	vld [tilespmem:s9+$0xD0]  }
0x117: {  	[tilespmem:s7+$0xFFFFFF40] =	vst v1;
	v1 =	vadd.f32 v5, v3;
	v3 =	vld [tilespmem:s11+$0x0]  }
0x118: {  	v5 =	vld [tilespmem:s9+$0x0]  }
0x119: {  	[tilespmem:s7+$0xFFFFFF80] =	vst v1;
	v0 =	vadd.f32 v7, v0;
	v1 =	vld [tilespmem:s11+$0x40]  }
0x11a: {  	v7 =	vld [tilespmem:s9+$0x40]  }
0x11b: {  	[tilespmem:s7+$0xFFFFFFC0] =	vst v0;
	v0 =	vld [tilespmem:s11+$0x80];
	v2 =	vadd.f32 v4, v2  }
0x11c: {  	v4 =	vld [tilespmem:s9+$0x80]  }
0x11d: {  	v8 =	vld [tilespmem:s11+$0xFFFFFF00];
	v3 =	vadd.f32 v5, v3;
	[tilespmem:s7+$0xD0] =	vst v2  }
0x11e: {  	v2 =	vld [tilespmem:s11+$0xE0]  }
0x11f: {  	[tilespmem:s7+$0x0] =	vst v3;
	v1 =	vadd.f32 v7, v1;
	v3 =	vld [tilespmem:s9+$0xE0]  }
0x120: {  	v5 =	vld [tilespmem:s11+$0xFFFFFF50]  }
0x121: {  	v7 =	vld [tilespmem:s9+$0xFFFFFF50];
	[tilespmem:s7+$0x40] =	vst v1;
	v0 =	vadd.f32 v4, v0  }
0x122: {  	v1 =	vadd.f32 v6, v8;
	v4 =	vld [tilespmem:s11+$0xFFFFFF90]  }
0x123: {  	v6 =	vld [tilespmem:s9+$0xFFFFFF90];
	[tilespmem:s7+$0x80] =	vst v0  }
0x124: {  	[tilespmem:s7+$0xFFFFFF00] =	vst v1;
	v0 =	vld [tilespmem:s11+$0xFFFFFFD0];
	v1 =	vadd.f32 v3, v2  }
0x125: {  	v2 =	vld [tilespmem:s11+$0xFFFFFF10]  }
0x126: {  	v3 =	vld [tilespmem:s9+$0xFFFFFF10];
	v5 =	vadd.f32 v7, v5;
	[tilespmem:s7+$0xE0] =	vst v1  }
0x127: {  	v1 =	vld [tilespmem:s11+$0xF0]  }
0x128: {  	[tilespmem:s7+$0xFFFFFF50] =	vst v5;
	v4 =	vadd.f32 v6, v4;
	v5 =	vld [tilespmem:s9+$0xF0]  }
0x129: {  	v6 =	vld [tilespmem:s9+$0xFFFFFFD0]  }
0x12a: {  	[tilespmem:s7+$0xFFFFFF90] =	vst v4;
	v4 =	vld [tilespmem:s11+$0x10]  }
0x12b: {  	v2 =	vadd.f32 v3, v2;
	v3 =	vld [tilespmem:s9+$0x10]  }
0x12c: {  	v7 =	vld [tilespmem:s11+$0x50]  }
0x12d: {  	[tilespmem:s7+$0xFFFFFF10] =	vst v2;
	v2 =	vld [tilespmem:s9+$0x50];
	v1 =	vadd.f32 v5, v1  }
0x12e: {  	v0 =	vadd.f32 v6, v0;
	v5 =	vld [tilespmem:s11+$0x90]  }
0x12f: {  	v6 =	vld [tilespmem:s9+$0x90];
	[tilespmem:s7+$0xF0] =	vst v1  }
0x130: {  	v1 =	vld [tilespmem:s11+$0xFFFFFF20];
	[tilespmem:s7+$0xFFFFFFD0] =	vst v0;
	v0 =	vadd.f32 v3, v4  }
0x131: {  	v3 =	vld [tilespmem:s9+$0xFFFFFF20]  }
0x132: {  	v4 =	vld [tilespmem:s11+$0xFFFFFF60];
	[tilespmem:s7+$0x10] =	vst v0;
	v0 =	vadd.f32 v2, v7  }
0x133: {  	v2 =	vld [tilespmem:s9+$0xFFFFFF60]  }
0x134: {  	v7 =	vld [tilespmem:s11+$0xFFFFFFA0];
	[tilespmem:s7+$0x50] =	vst v0;
	v0 =	vadd.f32 v6, v5  }
0x135: {  	v5 =	vld [tilespmem:s9+$0xFFFFFFA0]  }
0x136: {  	v1 =	vadd.f32 v3, v1;
	v3 =	vld [tilespmem:s11+$0xFFFFFFE0];
	[tilespmem:s7+$0x90] =	vst v0  }
0x137: {  	v0 =	vld [tilespmem:s9+$0xFFFFFFE0]  }
0x138: {  	[tilespmem:s7+$0xFFFFFF20] =	vst v1;
	v1 =	vadd.f32 v2, v4;
	v2 =	vld [tilespmem:s11+$0x20]  }
0x139: {  	v4 =	vld [tilespmem:s9+$0x20]  }
0x13a: {  	[tilespmem:s7+$0xFFFFFF60] =	vst v1;
	v1 =	vadd.f32 v5, v7;
	v5 =	vld [tilespmem:s11+$0x60]  }
0x13b: {  	v6 =	vld [tilespmem:s9+$0x60]  }
0x13c: {  	[tilespmem:s7+$0xFFFFFFA0] =	vst v1;
	v0 =	vadd.f32 v0, v3;
	v1 =	vld [tilespmem:s11+$0xA0]  }
0x13d: {  	v3 =	vld [tilespmem:s9+$0xA0]  }
0x13e: {  	v7 =	vld [tilespmem:s11+$0xFFFFFF30];
	[tilespmem:s7+$0xFFFFFFE0] =	vst v0;
	v0 =	vadd.f32 v4, v2  }
0x13f: {  	v2 =	vld [tilespmem:s9+$0xFFFFFF30]  }
0x140: {  	v4 =	vld [tilespmem:s11+$0xFFFFFF70];
	[tilespmem:s7+$0x20] =	vst v0;
	v0 =	vadd.f32 v6, v5  }
0x141: {  	v5 =	vld [tilespmem:s9+$0xFFFFFF70]  }
0x142: {  	v6 =	vld [tilespmem:s11+$0xFFFFFFB0];
	[tilespmem:s7+$0x60] =	vst v0;
	v0 =	vadd.f32 v3, v1  }
0x143: {  	v1 =	vld [tilespmem:s9+$0xFFFFFFB0]  }
0x144: {  	v2 =	vadd.f32 v2, v7;
	v3 =	vld [tilespmem:s11+$0xFFFFFFF0];
	[tilespmem:s7+$0xA0] =	vst v0  }
0x145: {  	v7 =	vld [tilespmem:s9+$0xFFFFFFF0]  }
0x146: {  	[tilespmem:s7+$0xFFFFFF30] =	vst v2;
	v4 =	vadd.f32 v5, v4;
	v0 =	vld [tilespmem:s11+$0x30]  }
.Ltmp3:
0x147: {  	v2 =	vld [tilespmem:s9+$0x30];
	(pc) =	sbr.rel @p0 .LBB2_5-.Ltmp3, $4  }
0x148: {  	[tilespmem:s7+$0xFFFFFF70] =	vst v4;
	v5 =	vadd.f32 v1, v6;
	v1 =	vld [tilespmem:s11+$0x70]  }
0x149: {  	v4 =	vld [tilespmem:s9+$0x70]  }
0x14a: {  	[tilespmem:s7+$0xFFFFFFB0] =	vst v5;
	v6 =	vadd.f32 v7, v3;
	v3 =	vld [tilespmem:s11+$0xB0]  }
0x14b: {  	s11 =	sadd.s32 $0x200, s11;
	v5 =	vld [tilespmem:s9+$0xB0]  }
0x14c: {  	_ =	sdelay $0x1  }
0x14d: {  	v0 =	vadd.f32 v2, v0  }
.Ltmp4:
0x14e: {  	[tilespmem:s7+$0xFFFFFFF0] =	vst v6;
	v1 =	vadd.f32 v4, v1;
	(pc) =	sbr.rel @p1 .LBB2_8-.Ltmp4, $4  }
0x14f: {  	s9 =	sadd.s32 s20, s13;
	[tilespmem:s7+$0x30] =	vst v0;
	v63 =	vadd.f32 v5, v3  }
0x150: {  	s9 =	sshrl.u32 s9, $0x3;
	[tilespmem:s7+$0x70] =	vst v1  }
0x151: {  	s20 =	sadd.s32 s6, s9;
	[tilespmem:s7+$0xB0] =	vst v63  }
0x152: {  	[hbm4b:s20+s2] =	stream.linear.scatter [tilespmem:s29], [sflag:$0x8], $0x4000, $0x38;
	[tilespmem:$0x18200] =	vst v63  }
0x153: {  	s7 =	sadd.s32 s16, s14  }
.Ltmp5:
0x154: {  	s9 =	sshrl.u32 s7, $0x3;
	s7 =	sshll.u32 s7, $0x3;
	(pc) =	sbr.rel .LBB2_2-.Ltmp5, $4  }
0x155: {  	s9 =	sadd.s32 s4, s9;
	s7 =	sand.u32 $0x1FFFF800, s7  }
0x156: {  	[tilespmem:s17], [sflag:$0x2] =	stream.linear.gather [hbm4b:s9+s2], $0x100, $0x38;
	[tilespmem:$0x18200] =	vst v63  }
0x157: {  	s1 =	sadd.s32 $0x1, s1;
	s7 =	sadd.s32 s3, s7  }
0x158: {  	[tilespmem:s18], [sflag:$0x6] =	stream.linear.gather [hbm4b:s7+s2], $0x4000, $0x38;
	[tilespmem:$0x18200] =	vst v63  }
.LBB2_9:
0x159: {  	_ =	sfence.sel $0x180000  }
0x15a: {  	[bflag:$0x0] =	sbarrier.arrive $0xFFFF  }
0x15b: {  	_ =	strace $0x90000047  }
0x15c: {  	s0 =	stileid.u32;
	[bflag:$0x2] =	sbarrier.arrive $0xFFFF  }
0x15d: {  	p0 =	sne.s32 s0, $0x0;
	s0 =	rddreg [dreg:$0x1]  }
0x15e: {  	s0 =	sadd.s32 @!p0 $0x100000, s0  }
0x15f: {  	[sflag:s0] =	ssyncadd.tile.s32 @!p0 $0x1;
	_ =	shalt  }
.Lfunc_end2:
_tile_overlayer_lowered:
.L_overlay_start_2:
0x160: {  	(tag) =	ssettag $0x2  }
0x161: {  	s0 =	rddreg [dreg:$0x0];
	s2 =	stileid.u32  }
0x162: {  	s1 =	rddreg [dreg:$0x1];
	p0 =	sne.s32 s2, $0x0  }
0x163: {  	s3 =	rddreg [dreg:$0x2];
	[bflag:$0x3] =	sbarrier.arrive $0xFFFF;
	s2 =	simm.s32 @!p0 $0x1C09  }
0x164: {  	[timem:s3], [sflag:s2] =	dma.local @!p0 [hbm:s0], s1  }
0x165: {  	s0 =	simm.s32 @!p0 $0x9  }
0x166: {  	_ =	swait.ge @!p0 [sflag:s0], s1  }
0x167: {  	s1 =	ssub.s32 @!p0 $0x0, s1;
	[sflag:s0] =	ssyncset.done @!p0 $0x0  }
0x168: {  	[sflag:s0] =	ssyncadd.s32 @!p0 s1  }
0x169: {  	[bflag:$0x3] =	sbarrier.arrive $0xFFFF  }
0x16a: {  	_ =	shalt  }

// kernel: sparse-core-data-format-call.cloned.1.call-start
scs
called_computation_lowered:
.L_overlay_start_0:
0x0: {  	s2 =	sld [smem:$0x3FD9]  }
0x1: {  	s3 =	sld [smem:$0x3FFE];
	_ =	sdelay $0x1  }
0x2: {  	s1 =	srdreg.scid  }
0x3: {  	s0 =	sand.u32 $0x1, s1  }
0x4: {  	s18 =	sshll.u32 s0, $0xA;
	s2 =	sadd.s32 s3, s2  }
0x5: {  	s2 =	sadd.s32 s2, s18  }
0x6: {  	[smem:$0x3FC5] =	sst s2  }
0x7: {  	_ = 	snop  }
0x8: {  	s2 =	sld [smem:$0x3FD0];
	(tm) =	ssettm $0x1  }
0x9: {  	s19 =	sld [smem:$0x3FFB];
	_ =	sdelay $0x3  }
0xa: {  	_ =	strace s19  }
0xb: {  	s3 =	sld [smem:$0x3FFC];
	_ =	sdelay $0x3  }
0xc: {  	_ =	strace s3  }
0xd: {  	s3 =	sld [smem:$0x3FFD];
	_ =	sdelay $0x3  }
0xe: {  	_ =	strace s3  }
0xf: {  	_ =	strace $0x8FFFFFFF  }
0x10: {  	s20 =	sld [smem:$0x3FDB];
	_ =	sdelay $0x1  }
0x11: {  	s4 =	simm.s32 $_scs_section_size  }
0x12: {  	s5 =	simm.s32 $_size__tile_overlayer_lowered;
	s6 =	simm.s32 $_tile_overlayer_lowered  }
0x13: {  	s23 =	simm.s32 $0x1BFF;
	s22 =	sshll.u32 s6, $0x1;
	s3 =	sadd.s32 s4, s20  }
0x14: {  	s7 =	simm.s32 $0x0;
	s21 =	sshll.u32 s5, $0x1;
	s5 =	sadd.s32 s22, s3  }
0x15: {  	[timem:s7], [sflag:s23] =	dma.local [hbm:s5], s21  }
0x16: {  	_ =	swait.ge [sflag:s23], s21  }
0x17: {  	s4 =	ssub.s32 $0x0, s21;
	[sflag:s23] =	ssyncset.done $0x0  }
0x18: {  	[sflag:s23] =	ssyncadd.s32 s4;
	_ =	sdelay $0x1  }
0x19: {  	s24 =	simm.s32 $0x1B8B  }
0x1a: {  	_ =	swait.ge [sflag:s24], $0x1  }
0x1b: {  	[sflag:s24] =	ssyncset.done $0x0  }
0x1c: {  	s26 =	simm.s32 $0x1B8E;
	s25 =	sld [smem:$0x3FFE];
	[sflag:s24] =	ssyncadd.s32 $0xFFFFFFFF  }
0x1d: {  	s27 =	simm.s32 $execute0_lowered;
	[smem:$0x3FD2] =	sst s26  }
0x1e: {  	s5 =	sshll.u32 s27, $0x1;
	_ =	strace $0x80000049;
	[dreg:$0x1] =	wrdreg $0xFFFFFFFF  }
0x1f: {  	s28 =	simm.s32 $_size_execute0_lowered;
	s3 =	sadd.s32 s3, s5;
	[dreg:$0x0] =	wrdreg $0x0  }
0x20: {  	s5 =	sshll.u32 s28, $0x1;
	[dreg:$0x2] =	wrdreg s3  }
0x21: {  	[dreg:$0x3] =	wrdreg s5  }
0x22: {  	[dreg:$0x4] =	wrdreg $0xC0  }
0x23: {  	_ =	task [dreg:s7], $0x5FFFF  }
0x24: {  	[dreg:$0x1] =	wrdreg $0xFFFFFFFF  }
0x25: {  	[dreg:$0x0] =	wrdreg $0x60  }
0x26: {  	[dreg:$0x2] =	wrdreg s25  }
0x27: {  	[dreg:$0x3] =	wrdreg s2  }
0x28: {  	[dreg:$0x4] =	wrdreg $0x9  }
0x29: {  	_ =	task.clear_ibuf [dreg:s7], $0x5FFFF;
	_ =	strace $0x90000049  }
0x2a: {  	s29 =	simm.s32 $0x9;
	_ =	strace $0x8000004B  }
0x2b: {  	_ =	swait.ge [sflag:s29], $0x1  }
0x2c: {  	[sflag:s29] =	ssyncadd.s32 $0xFFFFFFFF  }
0x2d: {  	_ =	strace $0x9000004B  }
0x2e: {  	_ =	sfence  }
0x2f: {  	s30 =	sld [smem:$0x0];
	_ =	sdelay $0x2  }
0x30: {  	s31 =	sshll.u32 s1, $0xD;
	s1 =	sshrl.u32 s1, $0x2  }
0x31: {  	s3 =	sand.u32 $0x4000, s31;
	s1 =	sadd.s32 s1, s30  }
0x32: {  	s0 =	sor.u32 s3, s0;
	s1 =	sshll.u32 s1, $0x11  }
0x33: {  	s0 =	sor.u32 s1, s0  }
0x34: {  	s0 =	sadd.s32 $0x8F2B, s0  }
0x35: {  	[sflag:s0] =	ssyncadd.remote.s32 $0x1  }
0x36: {  	_ =	sfence.sel $0xFFFF  }
0x37: {  	[dreg:$0x0] =	wrdreg $0xFFFFFFFF;
	(pc) =	sbr.abs _section_cstart, $3  }
0x38: {  	[dreg:$0x1] =	wrdreg $0xFFFFFFFF  }
0x39: {  	_ =	task.clear_ibuf [dreg:s7], $0x2FFFF;
	_ =	strace $0x9FFFFFFF  }
0x3a: {  	(tm) =	ssettm $0x7FFFFFFF  }
0x3b: {  	_ =	shalt  }
tec
execute0_lowered:
.L_overlay_start_1:
0x0: {  	(tag) =	ssettag $0x1  }
0x1: {  	s0 =	srdreg.scid  }
0x2: {  	s1 =	sshll.u32 s0, $0x4  }
0x3: {  	s4 =	rddreg [dreg:$0x0];
	s0 =	stileid.u32;
	s1 =	sand.u32 $0x10, s1  }
0x4: {  	s2 =	rddreg [dreg:$0x1];
	s7 =	simm.s32 $0x1;
	s1 =	sor.u32 s0, s1  }
0x5: {  	s8 =	simm.s32 $0x2;
	s11 =	simm.s32 $0x0;
	s3 =	sshll.u32 s1, $0x7  }
0x6: {  	s10 =	simm.s32 $0x0;
	s4 =	sadd.s32 $0xFC0200, s4;
	s6 =	ssub.s32 $0xC8000, s3  }
.Ltmp0:
0x7: {  	s1 =	rddreg [dreg:$0x2];
	s5 =	sand.u32 $0xF80, s6;
	(pc) =	sbr.rel .LBB1_1-.Ltmp0, $4  }
0x8: {  	_ =	strace $0x8000004A;
	s9 =	smov.u32 s3;
	p0 =	sne.s32 s5, $0x0  }
0x9: {  	s6 =	sshrl.u32 s6, $0xC;
	s5 =	simm.s32 $0x1;
	s7 =	simm.s32 @!p0 $0x0  }
0xa: {  	[sflag:s5] =	ssyncpa.u1 $0x0;
	p0 =	por $0x0, $0x0;
	s6 =	sadd.s32 s7, s6  }
0xb: {  	[sflag:s8] =	ssyncpa.u1 $0x0;
	s8 =	simm.s32 $0x640000;
	s7 =	sadd.s32 $0x1, s6  }
.LBB1_4:
0xc: {  	s14 =	sshll.u32 s11, $0x3  }
0xd: {  	s30 =	sand.u32 $0x7F, s11;
	s15 =	sand.u32 $0xFFFFFC00, s14  }
0xe: {  	s11 =	sor.u32 s30, s15  }
0xf: {  	s15 =	smulhi.u32 $0x51EB851F, s11  }
0x10: {  	s14 =	smulhi.u32 $0x51EB851F, s14  }
0x11: {  	s15 =	sshrl.u32 s15, $0x12  }
0x12: {  	s14 =	sshrl.u32 s14, $0x12;
	s15 =	smul.u32 $0xC8000, s15  }
0x13: {  	s14 =	sand.u32 $0x3F, s14  }
0x14: {  	s14 =	smul.u32 $0x19000, s14;
	s11 =	ssub.s32 s11, s15  }
0x15: {  	[tilespmem:s13+$0x810 ss:$0x81] =	vst.msk $0xffff, v2;
	s15 =	sand.u32 $0x7, s11  }
0x16: {  	[tilespmem:s13+$0x1020 ss:$0x81] =	vst.msk $0xffff, v0;
	s14 =	sadd.s32 s2, s14;
	s11 =	sshrl.u32 s11, $0x3;
	s15 =	sshll.u32 s15, $0x12  }
0x17: {  	[tilespmem:s13+$0x0 ss:$0x81] =	vst.msk $0xffff, v1;
	s11 =	sadd.s32 s11, s14;
	s31 =	sor.u32 $0x400, s15  }
0x18: {  	[hbm4b:s11+s31] =	stream.strided.scatter [tilespmem:s12], [sflag:$0x2], $0x2000, s8, s31, $0x20;
	[tilespmem:$0x8080] =	vst v63  }
.LBB1_5:
0x19: {  	s13 =	sadd.s32 $0x1000, s9  }
0x1a: {  	p2 =	sgt.s32 s13, $0xC7FFF  }
0x1b: {  	s13 =	smov.u32 @p2 s3;
	p2 =	sne.s32 s10, s7  }
.Ltmp1:
0x1c: {  	p1 =	slt.u32 s10, $0x2;
	(pc) =	sbr.rel @!p2 .LBB1_6-.Ltmp1, $4  }
0x1d: {  	s12 =	simm.s32 @!p1 $0x2  }
0x1e: {  	s14 =	sadd.s32 $0x1, s10;
	_ =	swait.ge @!p1 [sflag:s12], $0x2000  }
0x1f: {  	s11 =	smov.u32 s9;
	p0 =	por !p0, !p0;
	[sflag:s12] =	ssyncset.done @!p1 $0x0  }
0x20: {  	s10 =	smov.u32 s14;
	s9 =	smov.u32 s13;
	[sflag:s12] =	ssyncadd.s32 @!p1 $0xFFFFE000  }
.LBB1_1:
0x21: {  	p1 =	sge.u32 s10, s6  }
0x22: {  	s12 =	sand.u32 @!p1 $0x1FFFFFF, s9  }
0x23: {  	s13 =	smulhi.u32 @!p1 $0x147AE15, s12;
	_ =	sdelay $0x1  }
0x24: {  	s13 =	sshrl.u32 @!p1 s13, $0xC  }
0x25: {  	s13 =	smul.u32 @!p1 $0xC8000, s13;
	_ =	sdelay $0x1  }
0x26: {  	s31 =	sadd.s32 $0xFFFFFFFF, s10;
	s14 =	sxor.u32 @!p1 $0xFFFFFFFF, s10;
	s12 =	ssub.s32 @!p1 s12, s13  }
0x27: {  	s15 =	simm.s32 @!p1 $0x80;
	s14 =	sshll.u32 @!p1 s14, $0xD;
	s12 =	sshll.u32 @!p1 s12, $0x4  }
0x28: {  	s13 =	sand.u32 @!p1 $0x2000, s14;
	s14 =	simm.s32 @!p1 $0x40;
	s12 =	sadd.s32 @!p1 s4, s12  }
0x29: {  	[tilespmem:s13], [sflag:$0x1] =	stream.strided.gather @!p1 [hbm4b:s12+s14], $0x2000, s15, s14, $0x38;
	[tilespmem:$0x8080] =	vst v63  }
0x2a: {  	p1 =	sge.u32 s31, s6  }
.Ltmp2:
0x2b: {  	_ = 	snop;
	(pc) =	sbr.rel @p1 .LBB1_5-.Ltmp2, $1  }
0x2c: {  	_ =	sdelay $0x3  }
0x2d: {  	s12 =	simm.s32 $0x1  }
0x2e: {  	_ =	swait.ge [sflag:s5], $0x2000;
	s12 =	simm.s32 @!p0 $0x0  }
0x2f: {  	[sflag:s5] =	ssyncset.done $0x0;
	s13 =	sshll.u32 s12, $0xD  }
0x30: {  	[sflag:s5] =	ssyncadd.s32 $0xFFFFE000;
	s16 =	sor.u32 $0x20, s13  }
0x31: {  	s12 =	smul.u32 $0x8100, s12;
	v3 =	vld [tilespmem:s16+$0x10]  }
0x32: {  	s30 =	sand.u32 $0x1, s10;
	v2 =	vld [tilespmem:s16+$0xFFFFFFF0]  }
0x33: {  	s13 =	smul.u32 $0x8100, s30;
	s12 =	sshrl.u32 s12, $0x2;
	v0 =	vld [tilespmem:s16+$0x0]  }
0x34: {  	v1 =	vld [tilespmem:s16+$0xFFFFFFE0];
	s14 =	sor.u32 $0x4000, s12  }
0x35: {  	s31 =	sshrl.u32 s13, $0x2;
	s13 =	sadd.s32 $0x0, s14  }
0x36: {  	s15 =	simm.s32 $0x4;
	s16 =	sadd.s32 $0x40, s16;
	s12 =	sor.u32 $0x4000, s31;
	[tilespmem:s13+$0x1830 ss:$0x81] =	vst.msk $0xffff, v3  }
.LBB1_3:
0x37: {  	v3 =	vld [tilespmem:s16+$0x10];
	p1 =	sne.s32 s15, $0x1FC;
	[tilespmem:s13+$0x810 ss:$0x81] =	vst.msk $0xffff, v2;
	s17 =	smov.u32 s15;
	s15 =	sadd.s32 $0x4, s15  }
.Ltmp3:
0x38: {  	v2 =	vld [tilespmem:s16+$0xFFFFFFF0];
	[tilespmem:s13+$0x1020 ss:$0x81] =	vst.msk $0xffff, v0;
	(pc) =	sbr.rel @p1 .LBB1_3-.Ltmp3, $4  }
0x39: {  	v0 =	vld [tilespmem:s16+$0x0];
	[tilespmem:s13+$0x0 ss:$0x81] =	vst.msk $0xffff, v1  }
0x3a: {  	s13 =	sshra.s32 s17, $0x2;
	v1 =	vld [tilespmem:s16+$0xFFFFFFE0]  }
0x3b: {  	s13 =	sadd.s32 s13, s14  }
0x3c: {  	s16 =	sadd.s32 $0x40, s16;
	[tilespmem:s13+$0x1830 ss:$0x81] =	vst.msk $0xffff, v3  }
.Ltmp4:
0x3d: {  	_ = 	snop;
	(pc) =	sbr.rel .LBB1_4-.Ltmp4, $1  }
0x3e: {  	_ =	sdelay $0x3  }
.LBB1_6:
0x3f: {  	_ =	sfence.sel $0x180000  }
0x40: {  	s2 =	simm.s32 $0x1;
	[bflag:$0x0] =	sbarrier.arrive $0xFFFF  }
0x41: {  	s31 =	simm.s32 $0x2;
	[sflag:s2] =	ssyncpa.u1 $0x1  }
0x42: {  	[sflag:s31] =	ssyncpa.u1 $0x1  }
0x43: {  	p0 =	sne.s32 s0, $0x0;
	_ =	strace $0x9000004A  }
0x44: {  	s0 =	sadd.s32 @!p0 $0x100000, s1;
	[bflag:$0x2] =	sbarrier.arrive $0xFFFF  }
0x45: {  	[sflag:s0] =	ssyncadd.tile.s32 @!p0 $0x1;
	_ =	shalt  }
.Lfunc_end1:
_tile_overlayer_lowered:
.L_overlay_start_2:
0x46: {  	(tag) =	ssettag $0x2  }
0x47: {  	s0 =	rddreg [dreg:$0x0];
	s2 =	stileid.u32  }
0x48: {  	s1 =	rddreg [dreg:$0x1];
	p0 =	sne.s32 s2, $0x0  }
0x49: {  	s3 =	rddreg [dreg:$0x2];
	[bflag:$0x3] =	sbarrier.arrive $0xFFFF;
	s2 =	simm.s32 @!p0 $0x1C01  }
0x4a: {  	[timem:s3], [sflag:s2] =	dma.local @!p0 [hbm:s0], s1  }
0x4b: {  	s0 =	simm.s32 @!p0 $0x1  }
0x4c: {  	_ =	swait.ge @!p0 [sflag:s0], s1  }
0x4d: {  	s1 =	ssub.s32 @!p0 $0x0, s1;
	[sflag:s0] =	ssyncset.done @!p0 $0x0  }
0x4e: {  	[sflag:s0] =	ssyncadd.s32 @!p0 s1  }
0x4f: {  	[bflag:$0x3] =	sbarrier.arrive $0xFFFF  }
0x50: {  	_ =	shalt  }

</sc_bundles>
